<compile_context>
chip_gen: v7x
topology: tpu7x:2x2x1
jax: 0.10.2.dev20260603
libtpu: 0.0.44.dev20260713+nightly
codegen_flags: <defaults>
</compile_context>

<pallas_src>
import jax
import jax.numpy as jnp
from jax import lax
from jax.experimental import pallas as pl
from jax.experimental.pallas import tpu as pltpu
from jax.experimental.pallas import tpu_sc as plsc

HIDDEN = 128
LANES = 16
VPR = HIDDEN // LANES
NC, NS = 2, 16
NW = NC * NS
CHUNK = 128
EPS = 1e-12


def _rsqrt(x):
    i = plsc.bitcast(x, jnp.int32)
    i = jnp.int32(0x5F3759DF) - lax.shift_right_arithmetic(i, 1)
    y = plsc.bitcast(i, jnp.float32)
    half = x * jnp.float32(0.5)
    y = y * (jnp.float32(1.5) - half * y * y)
    return y


def _ln_rows(wrows, prows, orows, gvec, bvec, n_rows):

    def one_row(i):
        xs = []
        s = None
        q = None
        for j in range(VPR):
            x = wrows[i, pl.ds(j * LANES, LANES)] + prows[i, pl.ds(j * LANES, LANES)]
            xs.append(x)
            s = x if s is None else s + x
            q = x * x if q is None else q + x * x
        mean = jnp.full((LANES,), jnp.sum(s) * jnp.float32(1.0 / HIDDEN))
        msq = jnp.full((LANES,), jnp.sum(q) * jnp.float32(1.0 / HIDDEN))
        var = msq - mean * mean
        rstd = _rsqrt(var + jnp.float32(EPS))
        for j in range(VPR):
            orows[i, pl.ds(j * LANES, LANES)] = (xs[j] - mean) * rstd * gvec[j] + bvec[j]

    def body(r, carry):
        one_row(2 * r)
        one_row(2 * r + 1)
        return carry

    lax.fori_loop(0, n_rows // 2, body, None)


def _sc_kernel(ids_hbm, pos_hbm, wt_hbm, pt_hbm, g_hbm, b_hbm, out_hbm,
               idw_v, idp_v, pt_sh, wb, pb, ob, gb_v, sems):
    sid = lax.axis_index("s")
    wid = sid * NC + lax.axis_index("c")

    pltpu.sync_copy(g_hbm, gb_v.at[0])
    pltpu.sync_copy(b_hbm, gb_v.at[1])
    gvec = [gb_v[0, pl.ds(j * LANES, LANES)] for j in range(VPR)]
    bvec = [gb_v[1, pl.ds(j * LANES, LANES)] for j in range(VPR)]

    steps = ids_hbm.shape[0]
    batch = ids_hbm.shape[1]
    pltpu.sync_copy(ids_hbm.at[:, pl.ds(wid * CHUNK, CHUNK)], idw_v)
    pltpu.sync_copy(pos_hbm.at[:, pl.ds(wid * CHUNK, CHUNK)], idp_v)

    @pl.when(sid == 0)
    def _():
        pltpu.sync_copy(pt_hbm, pt_sh)

    plsc.subcore_barrier()

    sem_w = (sems[0], sems[1])
    sem_p = (sems[2], sems[3])
    sem_o = (sems[4], sems[5])

    def gather(g, p):
        pltpu.make_async_copy(wt_hbm.at[idw_v.at[g]], wb[p], sem_w[p]).start()
        pltpu.make_async_copy(pt_sh.at[idp_v.at[g]], pb[p], sem_p[p]).start()

    def gather_wait(g, p):
        pltpu.make_async_copy(wt_hbm.at[idw_v.at[g]], wb[p], sem_w[p]).wait()
        pltpu.make_async_copy(pt_sh.at[idp_v.at[g]], pb[p], sem_p[p]).wait()

    def write(g, p):
        dst = out_hbm.at[pl.ds(g * batch + wid * CHUNK, CHUNK)]
        pltpu.make_async_copy(ob[p], dst, sem_o[p]).start()

    def write_wait(g, p):
        dst = out_hbm.at[pl.ds(g * batch + wid * CHUNK, CHUNK)]
        pltpu.make_async_copy(ob[p], dst, sem_o[p]).wait()

    def handle(g, p):
        @pl.when(g + 1 < steps)
        def _():
            gather(g + 1, 1 - p)

        gather_wait(g, p)

        @pl.when(g >= 2)
        def _():
            write_wait(g - 2, p)

        _ln_rows(wb[p], pb[p], ob[p], gvec, bvec, CHUNK)
        write(g, p)

    gather(0, 0)

    def pair(g2, carry):
        g = 2 * g2
        handle(g, 0)
        handle(g + 1, 1)
        return carry

    lax.fori_loop(0, steps // 2, pair, None)
    write_wait(steps - 2, 0)
    write_wait(steps - 1, 1)


def kernel(input_ids, position_ids, text_attn_masks, word_table, pos_table,
           ln_gamma, ln_beta):
    B, L = input_ids.shape
    n = B * L
    ids = jnp.transpose(input_ids).astype(jnp.int32)
    pos = jnp.transpose(position_ids).astype(jnp.int32)

    mesh = plsc.VectorSubcoreMesh(core_axis_name="c", subcore_axis_name="s")
    run = pl.kernel(
        _sc_kernel,
        out_type=jax.ShapeDtypeStruct((n, HIDDEN), jnp.float32),
        mesh=mesh,
        compiler_params=pltpu.CompilerParams(needs_layout_passes=False),
        scratch_types=[
            pltpu.VMEM((L, CHUNK), jnp.int32),
            pltpu.VMEM((L, CHUNK), jnp.int32),
            pltpu.VMEM_SHARED(pos_table.shape, jnp.float32),
            [pltpu.VMEM((CHUNK, HIDDEN), jnp.float32)] * 2,
            [pltpu.VMEM((CHUNK, HIDDEN), jnp.float32)] * 2,
            [pltpu.VMEM((CHUNK, HIDDEN), jnp.float32)] * 2,
            pltpu.VMEM((2, HIDDEN), jnp.float32),
            [pltpu.SemaphoreType.DMA] * 6,
        ],
    )
    out = run(ids, pos, word_table, pos_table, ln_gamma, ln_beta)
    out = out.reshape(L, B, HIDDEN).transpose(1, 0, 2)
    return (out, text_attn_masks)

# --- scband reference (transcript-rebuilt; emitter-appended) ---
"""Pipeline reference for scband-uniter-text-embeddings-16664473108896 (READ-ONLY COPY).

The authoritative reference and input builder live on the scoring server;
editing this copy changes nothing except your own understanding.
"""

import jax, jax.numpy as jnp
import numpy as np

VOCAB = 100000
HIDDEN = 128
MAX_POS = 512
B, L = 4096, 50

def setup_inputs(seed: int = 0) -> dict:
    key = jax.random.key(seed)
    k1, k2, k3, k4 = jax.random.split(key, 4)
    input_ids = jax.random.randint(k1, (B, L), 0, VOCAB, dtype=jnp.int64 if jax.config.jax_enable_x64 else jnp.int32)
    position_ids = jax.random.randint(k2, (B, L), 0, MAX_POS, dtype=jnp.int64 if jax.config.jax_enable_x64 else jnp.int32)
    text_attn_masks = jnp.ones((B, L), dtype=jnp.float32)
    word_table = jax.random.normal(k3, (VOCAB, HIDDEN), dtype=jnp.float32) * 0.02
    # padding_idx=0 -> row 0 is zeros
    word_table = word_table.at[0].set(0.0)
    pos_table = jax.random.normal(k4, (MAX_POS, HIDDEN), dtype=jnp.float32) * 0.02
    ln_gamma = jnp.ones((HIDDEN,), dtype=jnp.float32)
    ln_beta = jnp.zeros((HIDDEN,), dtype=jnp.float32)
    return {
        "input_ids": input_ids,
        "position_ids": position_ids,
        "text_attn_masks": text_attn_masks,
        "word_table": word_table,
        "pos_table": pos_table,
        "ln_gamma": ln_gamma,
        "ln_beta": ln_beta,
    }

def _layer_norm(x, gamma, beta, eps=1e-12):
    mean = jnp.mean(x, axis=-1, keepdims=True)
    var = jnp.mean(jnp.square(x - mean), axis=-1, keepdims=True)
    return (x - mean) / jnp.sqrt(var + eps) * gamma + beta

def reference(input_ids, position_ids, text_attn_masks, word_table, pos_table, ln_gamma, ln_beta):
    words_embeddings = jnp.take(word_table, input_ids, axis=0)
    position_embeddings = jnp.take(pos_table, position_ids, axis=0)
    embeddings = words_embeddings + position_embeddings
    embeddings = _layer_norm(embeddings, ln_gamma, ln_beta, eps=1e-12)
    # dropout is identity in eval/reference mode
    return (embeddings, text_attn_masks)

if __name__ == "__main__":
    import jax
    _d = setup_inputs()
    print(jax.jit(kernel)(*tuple(_d.values())))

</pallas_src>

<mosaic_0001>
#map = affine_map<(d0, d1) -> (0, 0)>
#map1 = affine_map<(d0, d1) -> (0)>
module attributes {stable_mosaic.version = 14 : i64} {
  func.func @_sc_kernel(%arg0: i32, %arg1: i32, %arg2: memref<50x4096xi32, #tpu.memory_space<hbm>>, %arg3: memref<50x4096xi32, #tpu.memory_space<hbm>>, %arg4: memref<100000x128xf32, #tpu.memory_space<hbm>>, %arg5: memref<512x128xf32, #tpu.memory_space<hbm>>, %arg6: memref<128xf32, #tpu.memory_space<hbm>>, %arg7: memref<128xf32, #tpu.memory_space<hbm>>, %arg8: memref<204800x128xf32, #tpu.memory_space<hbm>>, %arg9: memref<50x128xi32, #tpu.memory_space<vmem>>, %arg10: memref<50x128xi32, #tpu.memory_space<vmem>>, %arg11: memref<512x128xf32, #tpu.memory_space<vmem_shared>>, %arg12: memref<128x128xf32, #tpu.memory_space<vmem>>, %arg13: memref<128x128xf32, #tpu.memory_space<vmem>>, %arg14: memref<128x128xf32, #tpu.memory_space<vmem>>, %arg15: memref<128x128xf32, #tpu.memory_space<vmem>>, %arg16: memref<128x128xf32, #tpu.memory_space<vmem>>, %arg17: memref<128x128xf32, #tpu.memory_space<vmem>>, %arg18: memref<2x128xf32, #tpu.memory_space<vmem>>, %arg19: memref<!tpu.dma_semaphore, #tpu.memory_space<semaphore_mem>>, %arg20: memref<!tpu.dma_semaphore, #tpu.memory_space<semaphore_mem>>, %arg21: memref<!tpu.dma_semaphore, #tpu.memory_space<semaphore_mem>>, %arg22: memref<!tpu.dma_semaphore, #tpu.memory_space<semaphore_mem>>, %arg23: memref<!tpu.dma_semaphore, #tpu.memory_space<semaphore_mem>>, %arg24: memref<!tpu.dma_semaphore, #tpu.memory_space<semaphore_mem>>) attributes {dimension_semantics = [#tpu.dimension_semantics<core_parallel>, #tpu.dimension_semantics<subcore_parallel>], iteration_bounds = array<i64: 2, 16>, scalar_prefetch = 0 : i64, scratch_operands = 16 : i64, tpu.core_type = #tpu.core_type<sc_vector_subcore>, window_params = [{transform_indices = #map}, {transform_indices = #map}, {transform_indices = #map}, {transform_indices = #map}, {transform_indices = #map1}, {transform_indices = #map1}, {transform_indices = #map}]} {
    %mul3A = arith.constant 2 : i32
    %mul3A_0 = arith.muli %arg1, %mul3A : i32
    %add3A = arith.addi %mul3A_0, %arg0 : i32
    %run_scoped3A = arith.constant 0 : i32
    "tpu.region"() ({
      %run_scoped3A_103 = tpu.sem_alloc : memref<!tpu.dma_semaphore, #tpu.memory_space<semaphore_mem>>
      %dma_start3A_104 = arith.constant 0 : i32
      %dma_start3A_105 = tpu.memref_slice %arg18[%run_scoped3A, %dma_start3A_104] : memref<2x128xf32, #tpu.memory_space<vmem>> -> memref<1x128xf32, #tpu.memory_space<vmem>>
      %dma_start3A_106 = tpu.memref_squeeze %dma_start3A_105 : memref<1x128xf32, #tpu.memory_space<vmem>> -> memref<128xf32, #tpu.memory_space<vmem>>
      %dma_start3A_107 = arith.constant 0 : i32
      %dma_start3A_108 = tpu.memref_slice %arg18[%run_scoped3A, %dma_start3A_107] : memref<2x128xf32, #tpu.memory_space<vmem>> -> memref<1x128xf32, #tpu.memory_space<vmem>>
      %dma_start3A_109 = tpu.memref_squeeze %dma_start3A_108 : memref<1x128xf32, #tpu.memory_space<vmem>> -> memref<128xf32, #tpu.memory_space<vmem>>
      tpu.enqueue_dma source(%arg6 : memref<128xf32, #tpu.memory_space<hbm>>) target(%dma_start3A_109 : memref<128xf32, #tpu.memory_space<vmem>>) target_semaphore(%run_scoped3A_103 : memref<!tpu.dma_semaphore, #tpu.memory_space<semaphore_mem>>)
      %dma_wait3A_110 = arith.constant 0 : i32
      %dma_wait3A_111 = tpu.memref_slice %arg18[%run_scoped3A, %dma_wait3A_110] : memref<2x128xf32, #tpu.memory_space<vmem>> -> memref<1x128xf32, #tpu.memory_space<vmem>>
      %dma_wait3A_112 = tpu.memref_squeeze %dma_wait3A_111 : memref<1x128xf32, #tpu.memory_space<vmem>> -> memref<128xf32, #tpu.memory_space<vmem>>
      %dma_wait3A_113 = arith.constant 0 : i32
      %dma_wait3A_114 = tpu.memref_slice %arg18[%run_scoped3A, %dma_wait3A_113] : memref<2x128xf32, #tpu.memory_space<vmem>> -> memref<1x128xf32, #tpu.memory_space<vmem>>
      %dma_wait3A_115 = tpu.memref_squeeze %dma_wait3A_114 : memref<1x128xf32, #tpu.memory_space<vmem>> -> memref<128xf32, #tpu.memory_space<vmem>>
      tpu.wait_dma2 semaphore(%run_scoped3A_103 : memref<!tpu.dma_semaphore, #tpu.memory_space<semaphore_mem>>) src(%arg6 : memref<128xf32, #tpu.memory_space<hbm>>) dst(%dma_wait3A_115 : memref<128xf32, #tpu.memory_space<vmem>>)
      tpu.yield
    }) : () -> ()
    %run_scoped3A_1 = arith.constant 1 : i32
    "tpu.region"() ({
      %run_scoped3A_103 = tpu.sem_alloc : memref<!tpu.dma_semaphore, #tpu.memory_space<semaphore_mem>>
      %dma_start3A_104 = arith.constant 0 : i32
      %dma_start3A_105 = tpu.memref_slice %arg18[%run_scoped3A_1, %dma_start3A_104] : memref<2x128xf32, #tpu.memory_space<vmem>> -> memref<1x128xf32, #tpu.memory_space<vmem>>
      %dma_start3A_106 = tpu.memref_squeeze %dma_start3A_105 : memref<1x128xf32, #tpu.memory_space<vmem>> -> memref<128xf32, #tpu.memory_space<vmem>>
      %dma_start3A_107 = arith.constant 0 : i32
      %dma_start3A_108 = tpu.memref_slice %arg18[%run_scoped3A_1, %dma_start3A_107] : memref<2x128xf32, #tpu.memory_space<vmem>> -> memref<1x128xf32, #tpu.memory_space<vmem>>
      %dma_start3A_109 = tpu.memref_squeeze %dma_start3A_108 : memref<1x128xf32, #tpu.memory_space<vmem>> -> memref<128xf32, #tpu.memory_space<vmem>>
      tpu.enqueue_dma source(%arg7 : memref<128xf32, #tpu.memory_space<hbm>>) target(%dma_start3A_109 : memref<128xf32, #tpu.memory_space<vmem>>) target_semaphore(%run_scoped3A_103 : memref<!tpu.dma_semaphore, #tpu.memory_space<semaphore_mem>>)
      %dma_wait3A_110 = arith.constant 0 : i32
      %dma_wait3A_111 = tpu.memref_slice %arg18[%run_scoped3A_1, %dma_wait3A_110] : memref<2x128xf32, #tpu.memory_space<vmem>> -> memref<1x128xf32, #tpu.memory_space<vmem>>
      %dma_wait3A_112 = tpu.memref_squeeze %dma_wait3A_111 : memref<1x128xf32, #tpu.memory_space<vmem>> -> memref<128xf32, #tpu.memory_space<vmem>>
      %dma_wait3A_113 = arith.constant 0 : i32
      %dma_wait3A_114 = tpu.memref_slice %arg18[%run_scoped3A_1, %dma_wait3A_113] : memref<2x128xf32, #tpu.memory_space<vmem>> -> memref<1x128xf32, #tpu.memory_space<vmem>>
      %dma_wait3A_115 = tpu.memref_squeeze %dma_wait3A_114 : memref<1x128xf32, #tpu.memory_space<vmem>> -> memref<128xf32, #tpu.memory_space<vmem>>
      tpu.wait_dma2 semaphore(%run_scoped3A_103 : memref<!tpu.dma_semaphore, #tpu.memory_space<semaphore_mem>>) src(%arg7 : memref<128xf32, #tpu.memory_space<hbm>>) dst(%dma_wait3A_115 : memref<128xf32, #tpu.memory_space<vmem>>)
      tpu.yield
    }) : () -> ()
    %get3A = arith.constant 0 : i32
    %get3A_2 = arith.index_cast %get3A : i32 to index
    %get3A_3 = arith.constant 0 : index
    %get3A_4 = tpu.vector_load %arg18[%get3A_2, %get3A_3] {strides = array<i32>} : memref<2x128xf32, #tpu.memory_space<vmem>>, vector<16xf32>,
    %get3A_5 = arith.constant 0 : i32
    %get3A_6 = arith.index_cast %get3A_5 : i32 to index
    %get3A_7 = arith.constant 16 : index
    %get3A_8 = tpu.vector_load %arg18[%get3A_6, %get3A_7] {strides = array<i32>} : memref<2x128xf32, #tpu.memory_space<vmem>>, vector<16xf32>,
    %get3A_9 = arith.constant 0 : i32
    %get3A_10 = arith.index_cast %get3A_9 : i32 to index
    %get3A_11 = arith.constant 32 : index
    %get3A_12 = tpu.vector_load %arg18[%get3A_10, %get3A_11] {strides = array<i32>} : memref<2x128xf32, #tpu.memory_space<vmem>>, vector<16xf32>,
    %get3A_13 = arith.constant 0 : i32
    %get3A_14 = arith.index_cast %get3A_13 : i32 to index
    %get3A_15 = arith.constant 48 : index
    %get3A_16 = tpu.vector_load %arg18[%get3A_14, %get3A_15] {strides = array<i32>} : memref<2x128xf32, #tpu.memory_space<vmem>>, vector<16xf32>,
    %get3A_17 = arith.constant 0 : i32
    %get3A_18 = arith.index_cast %get3A_17 : i32 to index
    %get3A_19 = arith.constant 64 : index
    %get3A_20 = tpu.vector_load %arg18[%get3A_18, %get3A_19] {strides = array<i32>} : memref<2x128xf32, #tpu.memory_space<vmem>>, vector<16xf32>,
    %get3A_21 = arith.constant 0 : i32
    %get3A_22 = arith.index_cast %get3A_21 : i32 to index
    %get3A_23 = arith.constant 80 : index
    %get3A_24 = tpu.vector_load %arg18[%get3A_22, %get3A_23] {strides = array<i32>} : memref<2x128xf32, #tpu.memory_space<vmem>>, vector<16xf32>,
    %get3A_25 = arith.constant 0 : i32
    %get3A_26 = arith.index_cast %get3A_25 : i32 to index
    %get3A_27 = arith.constant 96 : index
    %get3A_28 = tpu.vector_load %arg18[%get3A_26, %get3A_27] {strides = array<i32>} : memref<2x128xf32, #tpu.memory_space<vmem>>, vector<16xf32>,
    %get3A_29 = arith.constant 0 : i32
    %get3A_30 = arith.index_cast %get3A_29 : i32 to index
    %get3A_31 = arith.constant 112 : index
    %get3A_32 = tpu.vector_load %arg18[%get3A_30, %get3A_31] {strides = array<i32>} : memref<2x128xf32, #tpu.memory_space<vmem>>, vector<16xf32>,
    %get3A_33 = arith.constant 1 : i32
    %get3A_34 = arith.index_cast %get3A_33 : i32 to index
    %get3A_35 = arith.constant 0 : index
    %get3A_36 = tpu.vector_load %arg18[%get3A_34, %get3A_35] {strides = array<i32>} : memref<2x128xf32, #tpu.memory_space<vmem>>, vector<16xf32>,
    %get3A_37 = arith.constant 1 : i32
    %get3A_38 = arith.index_cast %get3A_37 : i32 to index
    %get3A_39 = arith.constant 16 : index
    %get3A_40 = tpu.vector_load %arg18[%get3A_38, %get3A_39] {strides = array<i32>} : memref<2x128xf32, #tpu.memory_space<vmem>>, vector<16xf32>,
    %get3A_41 = arith.constant 1 : i32
    %get3A_42 = arith.index_cast %get3A_41 : i32 to index
    %get3A_43 = arith.constant 32 : index
    %get3A_44 = tpu.vector_load %arg18[%get3A_42, %get3A_43] {strides = array<i32>} : memref<2x128xf32, #tpu.memory_space<vmem>>, vector<16xf32>,
    %get3A_45 = arith.constant 1 : i32
    %get3A_46 = arith.index_cast %get3A_45 : i32 to index
    %get3A_47 = arith.constant 48 : index
    %get3A_48 = tpu.vector_load %arg18[%get3A_46, %get3A_47] {strides = array<i32>} : memref<2x128xf32, #tpu.memory_space<vmem>>, vector<16xf32>,
    %get3A_49 = arith.constant 1 : i32
    %get3A_50 = arith.index_cast %get3A_49 : i32 to index
    %get3A_51 = arith.constant 64 : index
    %get3A_52 = tpu.vector_load %arg18[%get3A_50, %get3A_51] {strides = array<i32>} : memref<2x128xf32, #tpu.memory_space<vmem>>, vector<16xf32>,
    %get3A_53 = arith.constant 1 : i32
    %get3A_54 = arith.index_cast %get3A_53 : i32 to index
    %get3A_55 = arith.constant 80 : index
    %get3A_56 = tpu.vector_load %arg18[%get3A_54, %get3A_55] {strides = array<i32>} : memref<2x128xf32, #tpu.memory_space<vmem>>, vector<16xf32>,
    %get3A_57 = arith.constant 1 : i32
    %get3A_58 = arith.index_cast %get3A_57 : i32 to index
    %get3A_59 = arith.constant 96 : index
    %get3A_60 = tpu.vector_load %arg18[%get3A_58, %get3A_59] {strides = array<i32>} : memref<2x128xf32, #tpu.memory_space<vmem>>, vector<16xf32>,
    %get3A_61 = arith.constant 1 : i32
    %get3A_62 = arith.index_cast %get3A_61 : i32 to index
    %get3A_63 = arith.constant 112 : index
    %get3A_64 = tpu.vector_load %arg18[%get3A_62, %get3A_63] {strides = array<i32>} : memref<2x128xf32, #tpu.memory_space<vmem>>, vector<16xf32>,
    %mul3A_65 = arith.constant 128 : i32
    %mul3A_66 = arith.muli %add3A, %mul3A_65 : i32
    "tpu.region"() ({
      %run_scoped3A_103 = tpu.sem_alloc : memref<!tpu.dma_semaphore, #tpu.memory_space<semaphore_mem>>
      %dma_start3A_104 = arith.constant 0 : i32
      %dma_start3A_105 = tpu.memref_slice %arg2[%dma_start3A_104, %mul3A_66] : memref<50x4096xi32, #tpu.memory_space<hbm>> -> memref<50x128xi32, #tpu.memory_space<hbm>>
      %dma_start3A_106 = arith.constant 0 : i32
      %dma_start3A_107 = tpu.memref_slice %arg2[%dma_start3A_106, %mul3A_66] : memref<50x4096xi32, #tpu.memory_space<hbm>> -> memref<50x128xi32, #tpu.memory_space<hbm>>
      tpu.enqueue_dma source(%dma_start3A_107 : memref<50x128xi32, #tpu.memory_space<hbm>>) target(%arg9 : memref<50x128xi32, #tpu.memory_space<vmem>>) target_semaphore(%run_scoped3A_103 : memref<!tpu.dma_semaphore, #tpu.memory_space<semaphore_mem>>)
      %dma_wait3A_108 = arith.constant 0 : i32
      %dma_wait3A_109 = tpu.memref_slice %arg2[%dma_wait3A_108, %mul3A_66] : memref<50x4096xi32, #tpu.memory_space<hbm>> -> memref<50x128xi32, #tpu.memory_space<hbm>>
      %dma_wait3A_110 = arith.constant 0 : i32
      %dma_wait3A_111 = tpu.memref_slice %arg2[%dma_wait3A_110, %mul3A_66] : memref<50x4096xi32, #tpu.memory_space<hbm>> -> memref<50x128xi32, #tpu.memory_space<hbm>>
      tpu.wait_dma2 semaphore(%run_scoped3A_103 : memref<!tpu.dma_semaphore, #tpu.memory_space<semaphore_mem>>) src(%dma_wait3A_111 : memref<50x128xi32, #tpu.memory_space<hbm>>) dst(%arg9 : memref<50x128xi32, #tpu.memory_space<vmem>>)
      tpu.yield
    }) : () -> ()
    %mul3A_67 = arith.constant 128 : i32
    %mul3A_68 = arith.muli %add3A, %mul3A_67 : i32
    "tpu.region"() ({
      %run_scoped3A_103 = tpu.sem_alloc : memref<!tpu.dma_semaphore, #tpu.memory_space<semaphore_mem>>
      %dma_start3A_104 = arith.constant 0 : i32
      %dma_start3A_105 = tpu.memref_slice %arg3[%dma_start3A_104, %mul3A_68] : memref<50x4096xi32, #tpu.memory_space<hbm>> -> memref<50x128xi32, #tpu.memory_space<hbm>>
      %dma_start3A_106 = arith.constant 0 : i32
      %dma_start3A_107 = tpu.memref_slice %arg3[%dma_start3A_106, %mul3A_68] : memref<50x4096xi32, #tpu.memory_space<hbm>> -> memref<50x128xi32, #tpu.memory_space<hbm>>
      tpu.enqueue_dma source(%dma_start3A_107 : memref<50x128xi32, #tpu.memory_space<hbm>>) target(%arg10 : memref<50x128xi32, #tpu.memory_space<vmem>>) target_semaphore(%run_scoped3A_103 : memref<!tpu.dma_semaphore, #tpu.memory_space<semaphore_mem>>)
      %dma_wait3A_108 = arith.constant 0 : i32
      %dma_wait3A_109 = tpu.memref_slice %arg3[%dma_wait3A_108, %mul3A_68] : memref<50x4096xi32, #tpu.memory_space<hbm>> -> memref<50x128xi32, #tpu.memory_space<hbm>>
      %dma_wait3A_110 = arith.constant 0 : i32
      %dma_wait3A_111 = tpu.memref_slice %arg3[%dma_wait3A_110, %mul3A_68] : memref<50x4096xi32, #tpu.memory_space<hbm>> -> memref<50x128xi32, #tpu.memory_space<hbm>>
      tpu.wait_dma2 semaphore(%run_scoped3A_103 : memref<!tpu.dma_semaphore, #tpu.memory_space<semaphore_mem>>) src(%dma_wait3A_111 : memref<50x128xi32, #tpu.memory_space<hbm>>) dst(%arg10 : memref<50x128xi32, #tpu.memory_space<vmem>>)
      tpu.yield
    }) : () -> ()
    %eq3A = arith.constant 0 : i32
    %eq3A_69 = arith.cmpi eq, %arg1, %eq3A : i32
    %convert_element_type3A = arith.extui %eq3A_69 : i1 to i32
    %cond3A = arith.constant 0 : i32
    %cond3A_70 = arith.cmpi ne, %convert_element_type3A, %cond3A : i32
    scf.if %cond3A_70 {
      "tpu.region"() ({
        %run_scoped3A_103 = tpu.sem_alloc : memref<!tpu.dma_semaphore, #tpu.memory_space<semaphore_mem>>
        tpu.enqueue_dma source(%arg5 : memref<512x128xf32, #tpu.memory_space<hbm>>) target(%arg11 : memref<512x128xf32, #tpu.memory_space<vmem_shared>>) target_semaphore(%run_scoped3A_103 : memref<!tpu.dma_semaphore, #tpu.memory_space<semaphore_mem>>)
        tpu.wait_dma2 semaphore(%run_scoped3A_103 : memref<!tpu.dma_semaphore, #tpu.memory_space<semaphore_mem>>) src(%arg5 : memref<512x128xf32, #tpu.memory_space<hbm>>) dst(%arg11 : memref<512x128xf32, #tpu.memory_space<vmem_shared>>)
        tpu.yield
      }) : () -> ()
    } else {
    }
    %barrier3A = arith.constant 0 : index
    tpu.barrier barrier_id(%barrier3A)
    %dma_start3A = arith.constant 0 : i32
    %dma_start3A_71 = arith.constant 0 : i32
    %dma_start3A_72 = tpu.memref_slice %arg9[%dma_start3A, %dma_start3A_71] : memref<50x128xi32, #tpu.memory_space<vmem>> -> memref<1x128xi32, #tpu.memory_space<vmem>>
    %dma_start3A_73 = tpu.memref_squeeze %dma_start3A_72 : memref<1x128xi32, #tpu.memory_space<vmem>> -> memref<128xi32, #tpu.memory_space<vmem>>
    %dma_start3A_74 = arith.constant 0 : i32
    %dma_start3A_75 = arith.constant 0 : i32
    %dma_start3A_76 = tpu.memref_slice %arg4[%dma_start3A_74, %dma_start3A_75] : memref<100000x128xf32, #tpu.memory_space<hbm>> -> memref<100000x128xf32, #tpu.memory_space<hbm>>
    tpu.enqueue_indirect_dma source(%dma_start3A_76 : memref<100000x128xf32, #tpu.memory_space<hbm>>) target(%arg12 : memref<128x128xf32, #tpu.memory_space<vmem>>) offsets(%dma_start3A_73 : memref<128xi32, #tpu.memory_space<vmem>>) semaphore(%arg19 : memref<!tpu.dma_semaphore, #tpu.memory_space<semaphore_mem>>)
    %dma_start3A_77 = arith.constant 0 : i32
    %dma_start3A_78 = arith.constant 0 : i32
    %dma_start3A_79 = tpu.memref_slice %arg10[%dma_start3A_77, %dma_start3A_78] : memref<50x128xi32, #tpu.memory_space<vmem>> -> memref<1x128xi32, #tpu.memory_space<vmem>>
    %dma_start3A_80 = tpu.memref_squeeze %dma_start3A_79 : memref<1x128xi32, #tpu.memory_space<vmem>> -> memref<128xi32, #tpu.memory_space<vmem>>
    %dma_start3A_81 = arith.constant 0 : i32
    %dma_start3A_82 = arith.constant 0 : i32
    %dma_start3A_83 = tpu.memref_slice %arg11[%dma_start3A_81, %dma_start3A_82] : memref<512x128xf32, #tpu.memory_space<vmem_shared>> -> memref<512x128xf32, #tpu.memory_space<vmem_shared>>
    tpu.enqueue_indirect_dma source(%dma_start3A_83 : memref<512x128xf32, #tpu.memory_space<vmem_shared>>) target(%arg14 : memref<128x128xf32, #tpu.memory_space<vmem>>) offsets(%dma_start3A_80 : memref<128xi32, #tpu.memory_space<vmem>>) semaphore(%arg21 : memref<!tpu.dma_semaphore, #tpu.memory_space<semaphore_mem>>)
    %scan3A = arith.constant 0 : i32
    %scan3A_84 = arith.constant 25 : i32
    %scan3A_85 = arith.addi %scan3A, %scan3A_84 : i32
    %scan3A_86 = arith.constant 1 : i32
    scf.for %scan3A_103 = %scan3A to %scan3A_85 step %scan3A_86  : i32 {
      %mul3A_104 = arith.constant 2 : i32
      %mul3A_105 = arith.muli %mul3A_104, %scan3A_103 : i32
      %add3A_106 = arith.constant 1 : i32
      %add3A_107 = arith.addi %mul3A_105, %add3A_106 : i32
      %lt3A = arith.constant 50 : i32
      %lt3A_108 = arith.cmpi slt, %add3A_107, %lt3A : i32
      %convert_element_type3A_109 = arith.extui %lt3A_108 : i1 to i32
      %cond3A_110 = arith.constant 0 : i32
      %cond3A_111 = arith.cmpi ne, %convert_element_type3A_109, %cond3A_110 : i32
      scf.if %cond3A_111 {
        %add3A_182 = arith.constant 1 : i32
        %add3A_183 = arith.addi %mul3A_105, %add3A_182 : i32
        %dma_start3A_184 = arith.constant 0 : i32
        %dma_start3A_185 = tpu.memref_slice %arg9[%add3A_183, %dma_start3A_184] : memref<50x128xi32, #tpu.memory_space<vmem>> -> memref<1x128xi32, #tpu.memory_space<vmem>>
        %dma_start3A_186 = tpu.memref_squeeze %dma_start3A_185 : memref<1x128xi32, #tpu.memory_space<vmem>> -> memref<128xi32, #tpu.memory_space<vmem>>
        %dma_start3A_187 = arith.constant 0 : i32
        %dma_start3A_188 = arith.constant 0 : i32
        %dma_start3A_189 = tpu.memref_slice %arg4[%dma_start3A_187, %dma_start3A_188] : memref<100000x128xf32, #tpu.memory_space<hbm>> -> memref<100000x128xf32, #tpu.memory_space<hbm>>
        tpu.enqueue_indirect_dma source(%dma_start3A_189 : memref<100000x128xf32, #tpu.memory_space<hbm>>) target(%arg13 : memref<128x128xf32, #tpu.memory_space<vmem>>) offsets(%dma_start3A_186 : memref<128xi32, #tpu.memory_space<vmem>>) semaphore(%arg20 : memref<!tpu.dma_semaphore, #tpu.memory_space<semaphore_mem>>)
        %dma_start3A_190 = arith.constant 0 : i32
        %dma_start3A_191 = tpu.memref_slice %arg10[%add3A_183, %dma_start3A_190] : memref<50x128xi32, #tpu.memory_space<vmem>> -> memref<1x128xi32, #tpu.memory_space<vmem>>
        %dma_start3A_192 = tpu.memref_squeeze %dma_start3A_191 : memref<1x128xi32, #tpu.memory_space<vmem>> -> memref<128xi32, #tpu.memory_space<vmem>>
        %dma_start3A_193 = arith.constant 0 : i32
        %dma_start3A_194 = arith.constant 0 : i32
        %dma_start3A_195 = tpu.memref_slice %arg11[%dma_start3A_193, %dma_start3A_194] : memref<512x128xf32, #tpu.memory_space<vmem_shared>> -> memref<512x128xf32, #tpu.memory_space<vmem_shared>>
        tpu.enqueue_indirect_dma source(%dma_start3A_195 : memref<512x128xf32, #tpu.memory_space<vmem_shared>>) target(%arg15 : memref<128x128xf32, #tpu.memory_space<vmem>>) offsets(%dma_start3A_192 : memref<128xi32, #tpu.memory_space<vmem>>) semaphore(%arg22 : memref<!tpu.dma_semaphore, #tpu.memory_space<semaphore_mem>>)
      } else {
      }
      %dma_wait3A_112 = arith.constant 0 : i32
      %dma_wait3A_113 = tpu.memref_slice %arg9[%mul3A_105, %dma_wait3A_112] : memref<50x128xi32, #tpu.memory_space<vmem>> -> memref<1x128xi32, #tpu.memory_space<vmem>>
      %dma_wait3A_114 = tpu.memref_squeeze %dma_wait3A_113 : memref<1x128xi32, #tpu.memory_space<vmem>> -> memref<128xi32, #tpu.memory_space<vmem>>
      %dma_wait3A_115 = arith.constant 0 : i32
      %dma_wait3A_116 = arith.constant 0 : i32
      %dma_wait3A_117 = tpu.memref_slice %arg4[%dma_wait3A_115, %dma_wait3A_116] : memref<100000x128xf32, #tpu.memory_space<hbm>> -> memref<100000x128xf32, #tpu.memory_space<hbm>>
      tpu.wait_indirect_dma semaphore(%arg19 : memref<!tpu.dma_semaphore, #tpu.memory_space<semaphore_mem>>) src(%dma_wait3A_117 : memref<100000x128xf32, #tpu.memory_space<hbm>>) dst(%arg12 : memref<128x128xf32, #tpu.memory_space<vmem>>)
      %dma_wait3A_118 = arith.constant 0 : i32
      %dma_wait3A_119 = tpu.memref_slice %arg10[%mul3A_105, %dma_wait3A_118] : memref<50x128xi32, #tpu.memory_space<vmem>> -> memref<1x128xi32, #tpu.memory_space<vmem>>
      %dma_wait3A_120 = tpu.memref_squeeze %dma_wait3A_119 : memref<1x128xi32, #tpu.memory_space<vmem>> -> memref<128xi32, #tpu.memory_space<vmem>>
      %dma_wait3A_121 = arith.constant 0 : i32
      %dma_wait3A_122 = arith.constant 0 : i32
      %dma_wait3A_123 = tpu.memref_slice %arg11[%dma_wait3A_121, %dma_wait3A_122] : memref<512x128xf32, #tpu.memory_space<vmem_shared>> -> memref<512x128xf32, #tpu.memory_space<vmem_shared>>
      tpu.wait_indirect_dma semaphore(%arg21 : memref<!tpu.dma_semaphore, #tpu.memory_space<semaphore_mem>>) src(%dma_wait3A_123 : memref<512x128xf32, #tpu.memory_space<vmem_shared>>) dst(%arg14 : memref<128x128xf32, #tpu.memory_space<vmem>>)
      %ge3A = arith.constant 2 : i32
      %ge3A_124 = arith.cmpi sge, %mul3A_105, %ge3A : i32
      %convert_element_type3A_125 = arith.extui %ge3A_124 : i1 to i32
      %cond3A_126 = arith.constant 0 : i32
      %cond3A_127 = arith.cmpi ne, %convert_element_type3A_125, %cond3A_126 : i32
      scf.if %cond3A_127 {
        %sub3A = arith.constant 2 : i32
        %sub3A_182 = arith.subi %mul3A_105, %sub3A : i32
        %mul3A_183 = arith.constant 4096 : i32
        %mul3A_184 = arith.muli %sub3A_182, %mul3A_183 : i32
        %mul3A_185 = arith.constant 128 : i32
        %mul3A_186 = arith.muli %add3A, %mul3A_185 : i32
        %add3A_187 = arith.addi %mul3A_184, %mul3A_186 : i32
        %dma_wait3A_188 = arith.constant 0 : i32
        %dma_wait3A_189 = tpu.memref_slice %arg8[%add3A_187, %dma_wait3A_188] : memref<204800x128xf32, #tpu.memory_space<hbm>> -> memref<128x128xf32, #tpu.memory_space<hbm>>
        %dma_wait3A_190 = arith.constant 0 : i32
        %dma_wait3A_191 = tpu.memref_slice %arg8[%add3A_187, %dma_wait3A_190] : memref<204800x128xf32, #tpu.memory_space<hbm>> -> memref<128x128xf32, #tpu.memory_space<hbm>>
        tpu.wait_dma2 semaphore(%arg23 : memref<!tpu.dma_semaphore, #tpu.memory_space<semaphore_mem>>) src(%arg16 : memref<128x128xf32, #tpu.memory_space<vmem>>) dst(%dma_wait3A_191 : memref<128x128xf32, #tpu.memory_space<hbm>>)
      } else {
      }
      %scan3A_128 = arith.constant 0 : i32
      %scan3A_129 = arith.constant 64 : i32
      %scan3A_130 = arith.addi %scan3A_128, %scan3A_129 : i32
      %scan3A_131 = arith.constant 1 : i32
      scf.for %scan3A_182 = %scan3A_128 to %scan3A_130 step %scan3A_131  : i32 {
        %mul3A_183 = arith.constant 2 : i32
        %mul3A_184 = arith.muli %mul3A_183, %scan3A_182 : i32
        %get3A_185 = arith.index_cast %mul3A_184 : i32 to index
        %get3A_186 = arith.constant 0 : index
        %get3A_187 = tpu.vector_load %arg12[%get3A_185, %get3A_186] {strides = array<i32>} : memref<128x128xf32, #tpu.memory_space<vmem>>, vector<16xf32>,
        %get3A_188 = arith.index_cast %mul3A_184 : i32 to index
        %get3A_189 = arith.constant 0 : index
        %get3A_190 = tpu.vector_load %arg14[%get3A_188, %get3A_189] {strides = array<i32>} : memref<128x128xf32, #tpu.memory_space<vmem>>, vector<16xf32>,
        %add3A_191 = arith.addf %get3A_187, %get3A_190 : vector<16xf32>
        %mul3A_192 = arith.mulf %add3A_191, %add3A_191 : vector<16xf32>
        %get3A_193 = arith.index_cast %mul3A_184 : i32 to index
        %get3A_194 = arith.constant 16 : index
        %get3A_195 = tpu.vector_load %arg12[%get3A_193, %get3A_194] {strides = array<i32>} : memref<128x128xf32, #tpu.memory_space<vmem>>, vector<16xf32>,
        %get3A_196 = arith.index_cast %mul3A_184 : i32 to index
        %get3A_197 = arith.constant 16 : index
        %get3A_198 = tpu.vector_load %arg14[%get3A_196, %get3A_197] {strides = array<i32>} : memref<128x128xf32, #tpu.memory_space<vmem>>, vector<16xf32>,
        %add3A_199 = arith.addf %get3A_195, %get3A_198 : vector<16xf32>
        %add3A_200 = arith.addf %add3A_191, %add3A_199 : vector<16xf32>
        %mul3A_201 = arith.mulf %add3A_199, %add3A_199 : vector<16xf32>
        %add3A_202 = arith.addf %mul3A_192, %mul3A_201 : vector<16xf32>
        %get3A_203 = arith.index_cast %mul3A_184 : i32 to index
        %get3A_204 = arith.constant 32 : index
        %get3A_205 = tpu.vector_load %arg12[%get3A_203, %get3A_204] {strides = array<i32>} : memref<128x128xf32, #tpu.memory_space<vmem>>, vector<16xf32>,
        %get3A_206 = arith.index_cast %mul3A_184 : i32 to index
        %get3A_207 = arith.constant 32 : index
        %get3A_208 = tpu.vector_load %arg14[%get3A_206, %get3A_207] {strides = array<i32>} : memref<128x128xf32, #tpu.memory_space<vmem>>, vector<16xf32>,
        %add3A_209 = arith.addf %get3A_205, %get3A_208 : vector<16xf32>
        %add3A_210 = arith.addf %add3A_200, %add3A_209 : vector<16xf32>
        %mul3A_211 = arith.mulf %add3A_209, %add3A_209 : vector<16xf32>
        %add3A_212 = arith.addf %add3A_202, %mul3A_211 : vector<16xf32>
        %get3A_213 = arith.index_cast %mul3A_184 : i32 to index
        %get3A_214 = arith.constant 48 : index
        %get3A_215 = tpu.vector_load %arg12[%get3A_213, %get3A_214] {strides = array<i32>} : memref<128x128xf32, #tpu.memory_space<vmem>>, vector<16xf32>,
        %get3A_216 = arith.index_cast %mul3A_184 : i32 to index
        %get3A_217 = arith.constant 48 : index
        %get3A_218 = tpu.vector_load %arg14[%get3A_216, %get3A_217] {strides = array<i32>} : memref<128x128xf32, #tpu.memory_space<vmem>>, vector<16xf32>,
        %add3A_219 = arith.addf %get3A_215, %get3A_218 : vector<16xf32>
        %add3A_220 = arith.addf %add3A_210, %add3A_219 : vector<16xf32>
        %mul3A_221 = arith.mulf %add3A_219, %add3A_219 : vector<16xf32>
        %add3A_222 = arith.addf %add3A_212, %mul3A_221 : vector<16xf32>
        %get3A_223 = arith.index_cast %mul3A_184 : i32 to index
        %get3A_224 = arith.constant 64 : index
        %get3A_225 = tpu.vector_load %arg12[%get3A_223, %get3A_224] {strides = array<i32>} : memref<128x128xf32, #tpu.memory_space<vmem>>, vector<16xf32>,
        %get3A_226 = arith.index_cast %mul3A_184 : i32 to index
        %get3A_227 = arith.constant 64 : index
        %get3A_228 = tpu.vector_load %arg14[%get3A_226, %get3A_227] {strides = array<i32>} : memref<128x128xf32, #tpu.memory_space<vmem>>, vector<16xf32>,
        %add3A_229 = arith.addf %get3A_225, %get3A_228 : vector<16xf32>
        %add3A_230 = arith.addf %add3A_220, %add3A_229 : vector<16xf32>
        %mul3A_231 = arith.mulf %add3A_229, %add3A_229 : vector<16xf32>
        %add3A_232 = arith.addf %add3A_222, %mul3A_231 : vector<16xf32>
        %get3A_233 = arith.index_cast %mul3A_184 : i32 to index
        %get3A_234 = arith.constant 80 : index
        %get3A_235 = tpu.vector_load %arg12[%get3A_233, %get3A_234] {strides = array<i32>} : memref<128x128xf32, #tpu.memory_space<vmem>>, vector<16xf32>,
        %get3A_236 = arith.index_cast %mul3A_184 : i32 to index
        %get3A_237 = arith.constant 80 : index
        %get3A_238 = tpu.vector_load %arg14[%get3A_236, %get3A_237] {strides = array<i32>} : memref<128x128xf32, #tpu.memory_space<vmem>>, vector<16xf32>,
        %add3A_239 = arith.addf %get3A_235, %get3A_238 : vector<16xf32>
        %add3A_240 = arith.addf %add3A_230, %add3A_239 : vector<16xf32>
        %mul3A_241 = arith.mulf %add3A_239, %add3A_239 : vector<16xf32>
        %add3A_242 = arith.addf %add3A_232, %mul3A_241 : vector<16xf32>
        %get3A_243 = arith.index_cast %mul3A_184 : i32 to index
        %get3A_244 = arith.constant 96 : index
        %get3A_245 = tpu.vector_load %arg12[%get3A_243, %get3A_244] {strides = array<i32>} : memref<128x128xf32, #tpu.memory_space<vmem>>, vector<16xf32>,
        %get3A_246 = arith.index_cast %mul3A_184 : i32 to index
        %get3A_247 = arith.constant 96 : index
        %get3A_248 = tpu.vector_load %arg14[%get3A_246, %get3A_247] {strides = array<i32>} : memref<128x128xf32, #tpu.memory_space<vmem>>, vector<16xf32>,
        %add3A_249 = arith.addf %get3A_245, %get3A_248 : vector<16xf32>
        %add3A_250 = arith.addf %add3A_240, %add3A_249 : vector<16xf32>
        %mul3A_251 = arith.mulf %add3A_249, %add3A_249 : vector<16xf32>
        %add3A_252 = arith.addf %add3A_242, %mul3A_251 : vector<16xf32>
        %get3A_253 = arith.index_cast %mul3A_184 : i32 to index
        %get3A_254 = arith.constant 112 : index
        %get3A_255 = tpu.vector_load %arg12[%get3A_253, %get3A_254] {strides = array<i32>} : memref<128x128xf32, #tpu.memory_space<vmem>>, vector<16xf32>,
        %get3A_256 = arith.index_cast %mul3A_184 : i32 to index
        %get3A_257 = arith.constant 112 : index
        %get3A_258 = tpu.vector_load %arg14[%get3A_256, %get3A_257] {strides = array<i32>} : memref<128x128xf32, #tpu.memory_space<vmem>>, vector<16xf32>,
        %add3A_259 = arith.addf %get3A_255, %get3A_258 : vector<16xf32>
        %add3A_260 = arith.addf %add3A_250, %add3A_259 : vector<16xf32>
        %mul3A_261 = arith.mulf %add3A_259, %add3A_259 : vector<16xf32>
        %add3A_262 = arith.addf %add3A_252, %mul3A_261 : vector<16xf32>
        %reduce_sum3A = arith.constant true
        %reduce_sum3A_263 = vector.broadcast %reduce_sum3A : i1 to vector<16xi1>
        %reduce_sum3A_264 = tpu.scan <sum>, %add3A_260 masked %reduce_sum3A_263 : vector<16xf32>, vector<16xi1> -> vector<16xf32>
        %reduce_sum3A_265 = vector.extract %reduce_sum3A_264[15] : f32 from vector<16xf32>
        %mul3A_266 = arith.constant 7.812500e-03 : f32
        %mul3A_267 = arith.mulf %reduce_sum3A_265, %mul3A_266 : f32
        %broadcast_in_dim3A = vector.broadcast %mul3A_267 : f32 to vector<16xf32>
        %reduce_sum3A_268 = arith.constant true
        %reduce_sum3A_269 = vector.broadcast %reduce_sum3A_268 : i1 to vector<16xi1>
        %reduce_sum3A_270 = tpu.scan <sum>, %add3A_262 masked %reduce_sum3A_269 : vector<16xf32>, vector<16xi1> -> vector<16xf32>
        %reduce_sum3A_271 = vector.extract %reduce_sum3A_270[15] : f32 from vector<16xf32>
        %mul3A_272 = arith.constant 7.812500e-03 : f32
        %mul3A_273 = arith.mulf %reduce_sum3A_271, %mul3A_272 : f32
        %broadcast_in_dim3A_274 = vector.broadcast %mul3A_273 : f32 to vector<16xf32>
        %mul3A_275 = arith.mulf %broadcast_in_dim3A, %broadcast_in_dim3A : vector<16xf32>
        %sub3A = arith.subf %broadcast_in_dim3A_274, %mul3A_275 : vector<16xf32>
        %add3A_276 = arith.constant 9.99999996E-13 : f32
        %add3A_277 = vector.broadcast %add3A_276 : f32 to vector<16xf32>
        %add3A_278 = arith.addf %sub3A, %add3A_277 : vector<16xf32>
        %bitcast3A = vector.bitcast %add3A_278 : vector<16xf32> to vector<16xi32>
        %shift_right_arithmetic3A = arith.constant 1 : i32
        %shift_right_arithmetic3A_279 = vector.broadcast %shift_right_arithmetic3A : i32 to vector<16xi32>
        %shift_right_arithmetic3A_280 = arith.shrsi %bitcast3A, %shift_right_arithmetic3A_279 : vector<16xi32>
        %sub3A_281 = arith.constant 1597463007 : i32
        %sub3A_282 = vector.broadcast %sub3A_281 : i32 to vector<16xi32>
        %sub3A_283 = arith.subi %sub3A_282, %shift_right_arithmetic3A_280 : vector<16xi32>
        %bitcast3A_284 = vector.bitcast %sub3A_283 : vector<16xi32> to vector<16xf32>
        %mul3A_285 = arith.constant 5.000000e-01 : f32
        %mul3A_286 = vector.broadcast %mul3A_285 : f32 to vector<16xf32>
        %mul3A_287 = arith.mulf %add3A_278, %mul3A_286 : vector<16xf32>
        %mul3A_288 = arith.mulf %mul3A_287, %bitcast3A_284 : vector<16xf32>
        %mul3A_289 = arith.mulf %mul3A_288, %bitcast3A_284 : vector<16xf32>
        %sub3A_290 = arith.constant 1.500000e+00 : f32
        %sub3A_291 = vector.broadcast %sub3A_290 : f32 to vector<16xf32>
        %sub3A_292 = arith.subf %sub3A_291, %mul3A_289 : vector<16xf32>
        %mul3A_293 = arith.mulf %bitcast3A_284, %sub3A_292 : vector<16xf32>
        %sub3A_294 = arith.subf %add3A_191, %broadcast_in_dim3A : vector<16xf32>
        %mul3A_295 = arith.mulf %sub3A_294, %mul3A_293 : vector<16xf32>
        %mul3A_296 = arith.mulf %mul3A_295, %get3A_4 : vector<16xf32>
        %add3A_297 = arith.addf %mul3A_296, %get3A_36 : vector<16xf32>
        %swap3A = arith.index_cast %mul3A_184 : i32 to index
        %swap3A_298 = arith.constant 0 : index
        %swap3A_299 = tpu.vector_load %arg16[%swap3A, %swap3A_298] {strides = array<i32>} : memref<128x128xf32, #tpu.memory_space<vmem>>, vector<16xf32>,
        tpu.vector_store %arg16[%swap3A, %swap3A_298], %add3A_297 {strides = array<i32>} : memref<128x128xf32, #tpu.memory_space<vmem>>, vector<16xf32>,
        %sub3A_300 = arith.subf %add3A_199, %broadcast_in_dim3A : vector<16xf32>
        %mul3A_301 = arith.mulf %sub3A_300, %mul3A_293 : vector<16xf32>
        %mul3A_302 = arith.mulf %mul3A_301, %get3A_8 : vector<16xf32>
        %add3A_303 = arith.addf %mul3A_302, %get3A_40 : vector<16xf32>
        %swap3A_304 = arith.index_cast %mul3A_184 : i32 to index
        %swap3A_305 = arith.constant 16 : index
        %swap3A_306 = tpu.vector_load %arg16[%swap3A_304, %swap3A_305] {strides = array<i32>} : memref<128x128xf32, #tpu.memory_space<vmem>>, vector<16xf32>,
        tpu.vector_store %arg16[%swap3A_304, %swap3A_305], %add3A_303 {strides = array<i32>} : memref<128x128xf32, #tpu.memory_space<vmem>>, vector<16xf32>,
        %sub3A_307 = arith.subf %add3A_209, %broadcast_in_dim3A : vector<16xf32>
        %mul3A_308 = arith.mulf %sub3A_307, %mul3A_293 : vector<16xf32>
        %mul3A_309 = arith.mulf %mul3A_308, %get3A_12 : vector<16xf32>
        %add3A_310 = arith.addf %mul3A_309, %get3A_44 : vector<16xf32>
        %swap3A_311 = arith.index_cast %mul3A_184 : i32 to index
        %swap3A_312 = arith.constant 32 : index
        %swap3A_313 = tpu.vector_load %arg16[%swap3A_311, %swap3A_312] {strides = array<i32>} : memref<128x128xf32, #tpu.memory_space<vmem>>, vector<16xf32>,
        tpu.vector_store %arg16[%swap3A_311, %swap3A_312], %add3A_310 {strides = array<i32>} : memref<128x128xf32, #tpu.memory_space<vmem>>, vector<16xf32>,
        %sub3A_314 = arith.subf %add3A_219, %broadcast_in_dim3A : vector<16xf32>
        %mul3A_315 = arith.mulf %sub3A_314, %mul3A_293 : vector<16xf32>
        %mul3A_316 = arith.mulf %mul3A_315, %get3A_16 : vector<16xf32>
        %add3A_317 = arith.addf %mul3A_316, %get3A_48 : vector<16xf32>
        %swap3A_318 = arith.index_cast %mul3A_184 : i32 to index
        %swap3A_319 = arith.constant 48 : index
        %swap3A_320 = tpu.vector_load %arg16[%swap3A_318, %swap3A_319] {strides = array<i32>} : memref<128x128xf32, #tpu.memory_space<vmem>>, vector<16xf32>,
        tpu.vector_store %arg16[%swap3A_318, %swap3A_319], %add3A_317 {strides = array<i32>} : memref<128x128xf32, #tpu.memory_space<vmem>>, vector<16xf32>,
        %sub3A_321 = arith.subf %add3A_229, %broadcast_in_dim3A : vector<16xf32>
        %mul3A_322 = arith.mulf %sub3A_321, %mul3A_293 : vector<16xf32>
        %mul3A_323 = arith.mulf %mul3A_322, %get3A_20 : vector<16xf32>
        %add3A_324 = arith.addf %mul3A_323, %get3A_52 : vector<16xf32>
        %swap3A_325 = arith.index_cast %mul3A_184 : i32 to index
        %swap3A_326 = arith.constant 64 : index
        %swap3A_327 = tpu.vector_load %arg16[%swap3A_325, %swap3A_326] {strides = array<i32>} : memref<128x128xf32, #tpu.memory_space<vmem>>, vector<16xf32>,
        tpu.vector_store %arg16[%swap3A_325, %swap3A_326], %add3A_324 {strides = array<i32>} : memref<128x128xf32, #tpu.memory_space<vmem>>, vector<16xf32>,
        %sub3A_328 = arith.subf %add3A_239, %broadcast_in_dim3A : vector<16xf32>
        %mul3A_329 = arith.mulf %sub3A_328, %mul3A_293 : vector<16xf32>
        %mul3A_330 = arith.mulf %mul3A_329, %get3A_24 : vector<16xf32>
        %add3A_331 = arith.addf %mul3A_330, %get3A_56 : vector<16xf32>
        %swap3A_332 = arith.index_cast %mul3A_184 : i32 to index
        %swap3A_333 = arith.constant 80 : index
        %swap3A_334 = tpu.vector_load %arg16[%swap3A_332, %swap3A_333] {strides = array<i32>} : memref<128x128xf32, #tpu.memory_space<vmem>>, vector<16xf32>,
        tpu.vector_store %arg16[%swap3A_332, %swap3A_333], %add3A_331 {strides = array<i32>} : memref<128x128xf32, #tpu.memory_space<vmem>>, vector<16xf32>,
        %sub3A_335 = arith.subf %add3A_249, %broadcast_in_dim3A : vector<16xf32>
        %mul3A_336 = arith.mulf %sub3A_335, %mul3A_293 : vector<16xf32>
        %mul3A_337 = arith.mulf %mul3A_336, %get3A_28 : vector<16xf32>
        %add3A_338 = arith.addf %mul3A_337, %get3A_60 : vector<16xf32>
        %swap3A_339 = arith.index_cast %mul3A_184 : i32 to index
        %swap3A_340 = arith.constant 96 : index
        %swap3A_341 = tpu.vector_load %arg16[%swap3A_339, %swap3A_340] {strides = array<i32>} : memref<128x128xf32, #tpu.memory_space<vmem>>, vector<16xf32>,
        tpu.vector_store %arg16[%swap3A_339, %swap3A_340], %add3A_338 {strides = array<i32>} : memref<128x128xf32, #tpu.memory_space<vmem>>, vector<16xf32>,
        %sub3A_342 = arith.subf %add3A_259, %broadcast_in_dim3A : vector<16xf32>
        %mul3A_343 = arith.mulf %sub3A_342, %mul3A_293 : vector<16xf32>
        %mul3A_344 = arith.mulf %mul3A_343, %get3A_32 : vector<16xf32>
        %add3A_345 = arith.addf %mul3A_344, %get3A_64 : vector<16xf32>
        %swap3A_346 = arith.index_cast %mul3A_184 : i32 to index
        %swap3A_347 = arith.constant 112 : index
        %swap3A_348 = tpu.vector_load %arg16[%swap3A_346, %swap3A_347] {strides = array<i32>} : memref<128x128xf32, #tpu.memory_space<vmem>>, vector<16xf32>,
        tpu.vector_store %arg16[%swap3A_346, %swap3A_347], %add3A_345 {strides = array<i32>} : memref<128x128xf32, #tpu.memory_space<vmem>>, vector<16xf32>,
        %mul3A_349 = arith.constant 2 : i32
        %mul3A_350 = arith.muli %mul3A_349, %scan3A_182 : i32
        %add3A_351 = arith.constant 1 : i32
        %add3A_352 = arith.addi %mul3A_350, %add3A_351 : i32
        %get3A_353 = arith.index_cast %add3A_352 : i32 to index
        %get3A_354 = arith.constant 0 : index
        %get3A_355 = tpu.vector_load %arg12[%get3A_353, %get3A_354] {strides = array<i32>} : memref<128x128xf32, #tpu.memory_space<vmem>>, vector<16xf32>,
        %get3A_356 = arith.index_cast %add3A_352 : i32 to index
        %get3A_357 = arith.constant 0 : index
        %get3A_358 = tpu.vector_load %arg14[%get3A_356, %get3A_357] {strides = array<i32>} : memref<128x128xf32, #tpu.memory_space<vmem>>, vector<16xf32>,
        %add3A_359 = arith.addf %get3A_355, %get3A_358 : vector<16xf32>
        %mul3A_360 = arith.mulf %add3A_359, %add3A_359 : vector<16xf32>
        %get3A_361 = arith.index_cast %add3A_352 : i32 to index
        %get3A_362 = arith.constant 16 : index
        %get3A_363 = tpu.vector_load %arg12[%get3A_361, %get3A_362] {strides = array<i32>} : memref<128x128xf32, #tpu.memory_space<vmem>>, vector<16xf32>,
        %get3A_364 = arith.index_cast %add3A_352 : i32 to index
        %get3A_365 = arith.constant 16 : index
        %get3A_366 = tpu.vector_load %arg14[%get3A_364, %get3A_365] {strides = array<i32>} : memref<128x128xf32, #tpu.memory_space<vmem>>, vector<16xf32>,
        %add3A_367 = arith.addf %get3A_363, %get3A_366 : vector<16xf32>
        %add3A_368 = arith.addf %add3A_359, %add3A_367 : vector<16xf32>
        %mul3A_369 = arith.mulf %add3A_367, %add3A_367 : vector<16xf32>
        %add3A_370 = arith.addf %mul3A_360, %mul3A_369 : vector<16xf32>
        %get3A_371 = arith.index_cast %add3A_352 : i32 to index
        %get3A_372 = arith.constant 32 : index
        %get3A_373 = tpu.vector_load %arg12[%get3A_371, %get3A_372] {strides = array<i32>} : memref<128x128xf32, #tpu.memory_space<vmem>>, vector<16xf32>,
        %get3A_374 = arith.index_cast %add3A_352 : i32 to index
        %get3A_375 = arith.constant 32 : index
        %get3A_376 = tpu.vector_load %arg14[%get3A_374, %get3A_375] {strides = array<i32>} : memref<128x128xf32, #tpu.memory_space<vmem>>, vector<16xf32>,
        %add3A_377 = arith.addf %get3A_373, %get3A_376 : vector<16xf32>
        %add3A_378 = arith.addf %add3A_368, %add3A_377 : vector<16xf32>
        %mul3A_379 = arith.mulf %add3A_377, %add3A_377 : vector<16xf32>
        %add3A_380 = arith.addf %add3A_370, %mul3A_379 : vector<16xf32>
        %get3A_381 = arith.index_cast %add3A_352 : i32 to index
        %get3A_382 = arith.constant 48 : index
        %get3A_383 = tpu.vector_load %arg12[%get3A_381, %get3A_382] {strides = array<i32>} : memref<128x128xf32, #tpu.memory_space<vmem>>, vector<16xf32>,
        %get3A_384 = arith.index_cast %add3A_352 : i32 to index
        %get3A_385 = arith.constant 48 : index
        %get3A_386 = tpu.vector_load %arg14[%get3A_384, %get3A_385] {strides = array<i32>} : memref<128x128xf32, #tpu.memory_space<vmem>>, vector<16xf32>,
        %add3A_387 = arith.addf %get3A_383, %get3A_386 : vector<16xf32>
        %add3A_388 = arith.addf %add3A_378, %add3A_387 : vector<16xf32>
        %mul3A_389 = arith.mulf %add3A_387, %add3A_387 : vector<16xf32>
        %add3A_390 = arith.addf %add3A_380, %mul3A_389 : vector<16xf32>
        %get3A_391 = arith.index_cast %add3A_352 : i32 to index
        %get3A_392 = arith.constant 64 : index
        %get3A_393 = tpu.vector_load %arg12[%get3A_391, %get3A_392] {strides = array<i32>} : memref<128x128xf32, #tpu.memory_space<vmem>>, vector<16xf32>,
        %get3A_394 = arith.index_cast %add3A_352 : i32 to index
        %get3A_395 = arith.constant 64 : index
        %get3A_396 = tpu.vector_load %arg14[%get3A_394, %get3A_395] {strides = array<i32>} : memref<128x128xf32, #tpu.memory_space<vmem>>, vector<16xf32>,
        %add3A_397 = arith.addf %get3A_393, %get3A_396 : vector<16xf32>
        %add3A_398 = arith.addf %add3A_388, %add3A_397 : vector<16xf32>
        %mul3A_399 = arith.mulf %add3A_397, %add3A_397 : vector<16xf32>
        %add3A_400 = arith.addf %add3A_390, %mul3A_399 : vector<16xf32>
        %get3A_401 = arith.index_cast %add3A_352 : i32 to index
        %get3A_402 = arith.constant 80 : index
        %get3A_403 = tpu.vector_load %arg12[%get3A_401, %get3A_402] {strides = array<i32>} : memref<128x128xf32, #tpu.memory_space<vmem>>, vector<16xf32>,
        %get3A_404 = arith.index_cast %add3A_352 : i32 to index
        %get3A_405 = arith.constant 80 : index
        %get3A_406 = tpu.vector_load %arg14[%get3A_404, %get3A_405] {strides = array<i32>} : memref<128x128xf32, #tpu.memory_space<vmem>>, vector<16xf32>,
        %add3A_407 = arith.addf %get3A_403, %get3A_406 : vector<16xf32>
        %add3A_408 = arith.addf %add3A_398, %add3A_407 : vector<16xf32>
        %mul3A_409 = arith.mulf %add3A_407, %add3A_407 : vector<16xf32>
        %add3A_410 = arith.addf %add3A_400, %mul3A_409 : vector<16xf32>
        %get3A_411 = arith.index_cast %add3A_352 : i32 to index
        %get3A_412 = arith.constant 96 : index
        %get3A_413 = tpu.vector_load %arg12[%get3A_411, %get3A_412] {strides = array<i32>} : memref<128x128xf32, #tpu.memory_space<vmem>>, vector<16xf32>,
        %get3A_414 = arith.index_cast %add3A_352 : i32 to index
        %get3A_415 = arith.constant 96 : index
        %get3A_416 = tpu.vector_load %arg14[%get3A_414, %get3A_415] {strides = array<i32>} : memref<128x128xf32, #tpu.memory_space<vmem>>, vector<16xf32>,
        %add3A_417 = arith.addf %get3A_413, %get3A_416 : vector<16xf32>
        %add3A_418 = arith.addf %add3A_408, %add3A_417 : vector<16xf32>
        %mul3A_419 = arith.mulf %add3A_417, %add3A_417 : vector<16xf32>
        %add3A_420 = arith.addf %add3A_410, %mul3A_419 : vector<16xf32>
        %get3A_421 = arith.index_cast %add3A_352 : i32 to index
        %get3A_422 = arith.constant 112 : index
        %get3A_423 = tpu.vector_load %arg12[%get3A_421, %get3A_422] {strides = array<i32>} : memref<128x128xf32, #tpu.memory_space<vmem>>, vector<16xf32>,
        %get3A_424 = arith.index_cast %add3A_352 : i32 to index
        %get3A_425 = arith.constant 112 : index
        %get3A_426 = tpu.vector_load %arg14[%get3A_424, %get3A_425] {strides = array<i32>} : memref<128x128xf32, #tpu.memory_space<vmem>>, vector<16xf32>,
        %add3A_427 = arith.addf %get3A_423, %get3A_426 : vector<16xf32>
        %add3A_428 = arith.addf %add3A_418, %add3A_427 : vector<16xf32>
        %mul3A_429 = arith.mulf %add3A_427, %add3A_427 : vector<16xf32>
        %add3A_430 = arith.addf %add3A_420, %mul3A_429 : vector<16xf32>
        %reduce_sum3A_431 = arith.constant true
        %reduce_sum3A_432 = vector.broadcast %reduce_sum3A_431 : i1 to vector<16xi1>
        %reduce_sum3A_433 = tpu.scan <sum>, %add3A_428 masked %reduce_sum3A_432 : vector<16xf32>, vector<16xi1> -> vector<16xf32>
        %reduce_sum3A_434 = vector.extract %reduce_sum3A_433[15] : f32 from vector<16xf32>
        %mul3A_435 = arith.constant 7.812500e-03 : f32
        %mul3A_436 = arith.mulf %reduce_sum3A_434, %mul3A_435 : f32
        %broadcast_in_dim3A_437 = vector.broadcast %mul3A_436 : f32 to vector<16xf32>
        %reduce_sum3A_438 = arith.constant true
        %reduce_sum3A_439 = vector.broadcast %reduce_sum3A_438 : i1 to vector<16xi1>
        %reduce_sum3A_440 = tpu.scan <sum>, %add3A_430 masked %reduce_sum3A_439 : vector<16xf32>, vector<16xi1> -> vector<16xf32>
        %reduce_sum3A_441 = vector.extract %reduce_sum3A_440[15] : f32 from vector<16xf32>
        %mul3A_442 = arith.constant 7.812500e-03 : f32
        %mul3A_443 = arith.mulf %reduce_sum3A_441, %mul3A_442 : f32
        %broadcast_in_dim3A_444 = vector.broadcast %mul3A_443 : f32 to vector<16xf32>
        %mul3A_445 = arith.mulf %broadcast_in_dim3A_437, %broadcast_in_dim3A_437 : vector<16xf32>
        %sub3A_446 = arith.subf %broadcast_in_dim3A_444, %mul3A_445 : vector<16xf32>
        %add3A_447 = arith.constant 9.99999996E-13 : f32
        %add3A_448 = vector.broadcast %add3A_447 : f32 to vector<16xf32>
        %add3A_449 = arith.addf %sub3A_446, %add3A_448 : vector<16xf32>
        %bitcast3A_450 = vector.bitcast %add3A_449 : vector<16xf32> to vector<16xi32>
        %shift_right_arithmetic3A_451 = arith.constant 1 : i32
        %shift_right_arithmetic3A_452 = vector.broadcast %shift_right_arithmetic3A_451 : i32 to vector<16xi32>
        %shift_right_arithmetic3A_453 = arith.shrsi %bitcast3A_450, %shift_right_arithmetic3A_452 : vector<16xi32>
        %sub3A_454 = arith.constant 1597463007 : i32
        %sub3A_455 = vector.broadcast %sub3A_454 : i32 to vector<16xi32>
        %sub3A_456 = arith.subi %sub3A_455, %shift_right_arithmetic3A_453 : vector<16xi32>
        %bitcast3A_457 = vector.bitcast %sub3A_456 : vector<16xi32> to vector<16xf32>
        %mul3A_458 = arith.constant 5.000000e-01 : f32
        %mul3A_459 = vector.broadcast %mul3A_458 : f32 to vector<16xf32>
        %mul3A_460 = arith.mulf %add3A_449, %mul3A_459 : vector<16xf32>
        %mul3A_461 = arith.mulf %mul3A_460, %bitcast3A_457 : vector<16xf32>
        %mul3A_462 = arith.mulf %mul3A_461, %bitcast3A_457 : vector<16xf32>
        %sub3A_463 = arith.constant 1.500000e+00 : f32
        %sub3A_464 = vector.broadcast %sub3A_463 : f32 to vector<16xf32>
        %sub3A_465 = arith.subf %sub3A_464, %mul3A_462 : vector<16xf32>
        %mul3A_466 = arith.mulf %bitcast3A_457, %sub3A_465 : vector<16xf32>
        %sub3A_467 = arith.subf %add3A_359, %broadcast_in_dim3A_437 : vector<16xf32>
        %mul3A_468 = arith.mulf %sub3A_467, %mul3A_466 : vector<16xf32>
        %mul3A_469 = arith.mulf %mul3A_468, %get3A_4 : vector<16xf32>
        %add3A_470 = arith.addf %mul3A_469, %get3A_36 : vector<16xf32>
        %swap3A_471 = arith.index_cast %add3A_352 : i32 to index
        %swap3A_472 = arith.constant 0 : index
        %swap3A_473 = tpu.vector_load %arg16[%swap3A_471, %swap3A_472] {strides = array<i32>} : memref<128x128xf32, #tpu.memory_space<vmem>>, vector<16xf32>,
        tpu.vector_store %arg16[%swap3A_471, %swap3A_472], %add3A_470 {strides = array<i32>} : memref<128x128xf32, #tpu.memory_space<vmem>>, vector<16xf32>,
        %sub3A_474 = arith.subf %add3A_367, %broadcast_in_dim3A_437 : vector<16xf32>
        %mul3A_475 = arith.mulf %sub3A_474, %mul3A_466 : vector<16xf32>
        %mul3A_476 = arith.mulf %mul3A_475, %get3A_8 : vector<16xf32>
        %add3A_477 = arith.addf %mul3A_476, %get3A_40 : vector<16xf32>
        %swap3A_478 = arith.index_cast %add3A_352 : i32 to index
        %swap3A_479 = arith.constant 16 : index
        %swap3A_480 = tpu.vector_load %arg16[%swap3A_478, %swap3A_479] {strides = array<i32>} : memref<128x128xf32, #tpu.memory_space<vmem>>, vector<16xf32>,
        tpu.vector_store %arg16[%swap3A_478, %swap3A_479], %add3A_477 {strides = array<i32>} : memref<128x128xf32, #tpu.memory_space<vmem>>, vector<16xf32>,
        %sub3A_481 = arith.subf %add3A_377, %broadcast_in_dim3A_437 : vector<16xf32>
        %mul3A_482 = arith.mulf %sub3A_481, %mul3A_466 : vector<16xf32>
        %mul3A_483 = arith.mulf %mul3A_482, %get3A_12 : vector<16xf32>
        %add3A_484 = arith.addf %mul3A_483, %get3A_44 : vector<16xf32>
        %swap3A_485 = arith.index_cast %add3A_352 : i32 to index
        %swap3A_486 = arith.constant 32 : index
        %swap3A_487 = tpu.vector_load %arg16[%swap3A_485, %swap3A_486] {strides = array<i32>} : memref<128x128xf32, #tpu.memory_space<vmem>>, vector<16xf32>,
        tpu.vector_store %arg16[%swap3A_485, %swap3A_486], %add3A_484 {strides = array<i32>} : memref<128x128xf32, #tpu.memory_space<vmem>>, vector<16xf32>,
        %sub3A_488 = arith.subf %add3A_387, %broadcast_in_dim3A_437 : vector<16xf32>
        %mul3A_489 = arith.mulf %sub3A_488, %mul3A_466 : vector<16xf32>
        %mul3A_490 = arith.mulf %mul3A_489, %get3A_16 : vector<16xf32>
        %add3A_491 = arith.addf %mul3A_490, %get3A_48 : vector<16xf32>
        %swap3A_492 = arith.index_cast %add3A_352 : i32 to index
        %swap3A_493 = arith.constant 48 : index
        %swap3A_494 = tpu.vector_load %arg16[%swap3A_492, %swap3A_493] {strides = array<i32>} : memref<128x128xf32, #tpu.memory_space<vmem>>, vector<16xf32>,
        tpu.vector_store %arg16[%swap3A_492, %swap3A_493], %add3A_491 {strides = array<i32>} : memref<128x128xf32, #tpu.memory_space<vmem>>, vector<16xf32>,
        %sub3A_495 = arith.subf %add3A_397, %broadcast_in_dim3A_437 : vector<16xf32>
        %mul3A_496 = arith.mulf %sub3A_495, %mul3A_466 : vector<16xf32>
        %mul3A_497 = arith.mulf %mul3A_496, %get3A_20 : vector<16xf32>
        %add3A_498 = arith.addf %mul3A_497, %get3A_52 : vector<16xf32>
        %swap3A_499 = arith.index_cast %add3A_352 : i32 to index
        %swap3A_500 = arith.constant 64 : index
        %swap3A_501 = tpu.vector_load %arg16[%swap3A_499, %swap3A_500] {strides = array<i32>} : memref<128x128xf32, #tpu.memory_space<vmem>>, vector<16xf32>,
        tpu.vector_store %arg16[%swap3A_499, %swap3A_500], %add3A_498 {strides = array<i32>} : memref<128x128xf32, #tpu.memory_space<vmem>>, vector<16xf32>,
        %sub3A_502 = arith.subf %add3A_407, %broadcast_in_dim3A_437 : vector<16xf32>
        %mul3A_503 = arith.mulf %sub3A_502, %mul3A_466 : vector<16xf32>
        %mul3A_504 = arith.mulf %mul3A_503, %get3A_24 : vector<16xf32>
        %add3A_505 = arith.addf %mul3A_504, %get3A_56 : vector<16xf32>
        %swap3A_506 = arith.index_cast %add3A_352 : i32 to index
        %swap3A_507 = arith.constant 80 : index
        %swap3A_508 = tpu.vector_load %arg16[%swap3A_506, %swap3A_507] {strides = array<i32>} : memref<128x128xf32, #tpu.memory_space<vmem>>, vector<16xf32>,
        tpu.vector_store %arg16[%swap3A_506, %swap3A_507], %add3A_505 {strides = array<i32>} : memref<128x128xf32, #tpu.memory_space<vmem>>, vector<16xf32>,
        %sub3A_509 = arith.subf %add3A_417, %broadcast_in_dim3A_437 : vector<16xf32>
        %mul3A_510 = arith.mulf %sub3A_509, %mul3A_466 : vector<16xf32>
        %mul3A_511 = arith.mulf %mul3A_510, %get3A_28 : vector<16xf32>
        %add3A_512 = arith.addf %mul3A_511, %get3A_60 : vector<16xf32>
        %swap3A_513 = arith.index_cast %add3A_352 : i32 to index
        %swap3A_514 = arith.constant 96 : index
        %swap3A_515 = tpu.vector_load %arg16[%swap3A_513, %swap3A_514] {strides = array<i32>} : memref<128x128xf32, #tpu.memory_space<vmem>>, vector<16xf32>,
        tpu.vector_store %arg16[%swap3A_513, %swap3A_514], %add3A_512 {strides = array<i32>} : memref<128x128xf32, #tpu.memory_space<vmem>>, vector<16xf32>,
        %sub3A_516 = arith.subf %add3A_427, %broadcast_in_dim3A_437 : vector<16xf32>
        %mul3A_517 = arith.mulf %sub3A_516, %mul3A_466 : vector<16xf32>
        %mul3A_518 = arith.mulf %mul3A_517, %get3A_32 : vector<16xf32>
        %add3A_519 = arith.addf %mul3A_518, %get3A_64 : vector<16xf32>
        %swap3A_520 = arith.index_cast %add3A_352 : i32 to index
        %swap3A_521 = arith.constant 112 : index
        %swap3A_522 = tpu.vector_load %arg16[%swap3A_520, %swap3A_521] {strides = array<i32>} : memref<128x128xf32, #tpu.memory_space<vmem>>, vector<16xf32>,
        tpu.vector_store %arg16[%swap3A_520, %swap3A_521], %add3A_519 {strides = array<i32>} : memref<128x128xf32, #tpu.memory_space<vmem>>, vector<16xf32>,
      }
      %scan3A_132 = arith.constant 64 : i32
      %mul3A_133 = arith.constant 4096 : i32
      %mul3A_134 = arith.muli %mul3A_105, %mul3A_133 : i32
      %mul3A_135 = arith.constant 128 : i32
      %mul3A_136 = arith.muli %add3A, %mul3A_135 : i32
      %add3A_137 = arith.addi %mul3A_134, %mul3A_136 : i32
      %dma_start3A_138 = arith.constant 0 : i32
      %dma_start3A_139 = tpu.memref_slice %arg8[%add3A_137, %dma_start3A_138] : memref<204800x128xf32, #tpu.memory_space<hbm>> -> memref<128x128xf32, #tpu.memory_space<hbm>>
      %dma_start3A_140 = arith.constant 0 : i32
      %dma_start3A_141 = tpu.memref_slice %arg8[%add3A_137, %dma_start3A_140] : memref<204800x128xf32, #tpu.memory_space<hbm>> -> memref<128x128xf32, #tpu.memory_space<hbm>>
      tpu.enqueue_dma source(%arg16 : memref<128x128xf32, #tpu.memory_space<vmem>>) target(%dma_start3A_141 : memref<128x128xf32, #tpu.memory_space<hbm>>) target_semaphore(%arg23 : memref<!tpu.dma_semaphore, #tpu.memory_space<semaphore_mem>>)
      %add3A_142 = arith.constant 1 : i32
      %add3A_143 = arith.addi %mul3A_105, %add3A_142 : i32
      %add3A_144 = arith.constant 1 : i32
      %add3A_145 = arith.addi %add3A_143, %add3A_144 : i32
      %lt3A_146 = arith.constant 50 : i32
      %lt3A_147 = arith.cmpi slt, %add3A_145, %lt3A_146 : i32
      %convert_element_type3A_148 = arith.extui %lt3A_147 : i1 to i32
      %cond3A_149 = arith.constant 0 : i32
      %cond3A_150 = arith.cmpi ne, %convert_element_type3A_148, %cond3A_149 : i32
      scf.if %cond3A_150 {
        %add3A_182 = arith.constant 1 : i32
        %add3A_183 = arith.addi %add3A_143, %add3A_182 : i32
        %dma_start3A_184 = arith.constant 0 : i32
        %dma_start3A_185 = tpu.memref_slice %arg9[%add3A_183, %dma_start3A_184] : memref<50x128xi32, #tpu.memory_space<vmem>> -> memref<1x128xi32, #tpu.memory_space<vmem>>
        %dma_start3A_186 = tpu.memref_squeeze %dma_start3A_185 : memref<1x128xi32, #tpu.memory_space<vmem>> -> memref<128xi32, #tpu.memory_space<vmem>>
        %dma_start3A_187 = arith.constant 0 : i32
        %dma_start3A_188 = arith.constant 0 : i32
        %dma_start3A_189 = tpu.memref_slice %arg4[%dma_start3A_187, %dma_start3A_188] : memref<100000x128xf32, #tpu.memory_space<hbm>> -> memref<100000x128xf32, #tpu.memory_space<hbm>>
        tpu.enqueue_indirect_dma source(%dma_start3A_189 : memref<100000x128xf32, #tpu.memory_space<hbm>>) target(%arg12 : memref<128x128xf32, #tpu.memory_space<vmem>>) offsets(%dma_start3A_186 : memref<128xi32, #tpu.memory_space<vmem>>) semaphore(%arg19 : memref<!tpu.dma_semaphore, #tpu.memory_space<semaphore_mem>>)
        %dma_start3A_190 = arith.constant 0 : i32
        %dma_start3A_191 = tpu.memref_slice %arg10[%add3A_183, %dma_start3A_190] : memref<50x128xi32, #tpu.memory_space<vmem>> -> memref<1x128xi32, #tpu.memory_space<vmem>>
        %dma_start3A_192 = tpu.memref_squeeze %dma_start3A_191 : memref<1x128xi32, #tpu.memory_space<vmem>> -> memref<128xi32, #tpu.memory_space<vmem>>
        %dma_start3A_193 = arith.constant 0 : i32
        %dma_start3A_194 = arith.constant 0 : i32
        %dma_start3A_195 = tpu.memref_slice %arg11[%dma_start3A_193, %dma_start3A_194] : memref<512x128xf32, #tpu.memory_space<vmem_shared>> -> memref<512x128xf32, #tpu.memory_space<vmem_shared>>
        tpu.enqueue_indirect_dma source(%dma_start3A_195 : memref<512x128xf32, #tpu.memory_space<vmem_shared>>) target(%arg14 : memref<128x128xf32, #tpu.memory_space<vmem>>) offsets(%dma_start3A_192 : memref<128xi32, #tpu.memory_space<vmem>>) semaphore(%arg21 : memref<!tpu.dma_semaphore, #tpu.memory_space<semaphore_mem>>)
      } else {
      }
      %dma_wait3A_151 = arith.constant 0 : i32
      %dma_wait3A_152 = tpu.memref_slice %arg9[%add3A_143, %dma_wait3A_151] : memref<50x128xi32, #tpu.memory_space<vmem>> -> memref<1x128xi32, #tpu.memory_space<vmem>>
      %dma_wait3A_153 = tpu.memref_squeeze %dma_wait3A_152 : memref<1x128xi32, #tpu.memory_space<vmem>> -> memref<128xi32, #tpu.memory_space<vmem>>
      %dma_wait3A_154 = arith.constant 0 : i32
      %dma_wait3A_155 = arith.constant 0 : i32
      %dma_wait3A_156 = tpu.memref_slice %arg4[%dma_wait3A_154, %dma_wait3A_155] : memref<100000x128xf32, #tpu.memory_space<hbm>> -> memref<100000x128xf32, #tpu.memory_space<hbm>>
      tpu.wait_indirect_dma semaphore(%arg20 : memref<!tpu.dma_semaphore, #tpu.memory_space<semaphore_mem>>) src(%dma_wait3A_156 : memref<100000x128xf32, #tpu.memory_space<hbm>>) dst(%arg13 : memref<128x128xf32, #tpu.memory_space<vmem>>)
      %dma_wait3A_157 = arith.constant 0 : i32
      %dma_wait3A_158 = tpu.memref_slice %arg10[%add3A_143, %dma_wait3A_157] : memref<50x128xi32, #tpu.memory_space<vmem>> -> memref<1x128xi32, #tpu.memory_space<vmem>>
      %dma_wait3A_159 = tpu.memref_squeeze %dma_wait3A_158 : memref<1x128xi32, #tpu.memory_space<vmem>> -> memref<128xi32, #tpu.memory_space<vmem>>
      %dma_wait3A_160 = arith.constant 0 : i32
      %dma_wait3A_161 = arith.constant 0 : i32
      %dma_wait3A_162 = tpu.memref_slice %arg11[%dma_wait3A_160, %dma_wait3A_161] : memref<512x128xf32, #tpu.memory_space<vmem_shared>> -> memref<512x128xf32, #tpu.memory_space<vmem_shared>>
      tpu.wait_indirect_dma semaphore(%arg22 : memref<!tpu.dma_semaphore, #tpu.memory_space<semaphore_mem>>) src(%dma_wait3A_162 : memref<512x128xf32, #tpu.memory_space<vmem_shared>>) dst(%arg15 : memref<128x128xf32, #tpu.memory_space<vmem>>)
      %ge3A_163 = arith.constant 2 : i32
      %ge3A_164 = arith.cmpi sge, %add3A_143, %ge3A_163 : i32
      %convert_element_type3A_165 = arith.extui %ge3A_164 : i1 to i32
      %cond3A_166 = arith.constant 0 : i32
      %cond3A_167 = arith.cmpi ne, %convert_element_type3A_165, %cond3A_166 : i32
      scf.if %cond3A_167 {
        %sub3A = arith.constant 2 : i32
        %sub3A_182 = arith.subi %add3A_143, %sub3A : i32
        %mul3A_183 = arith.constant 4096 : i32
        %mul3A_184 = arith.muli %sub3A_182, %mul3A_183 : i32
        %mul3A_185 = arith.constant 128 : i32
        %mul3A_186 = arith.muli %add3A, %mul3A_185 : i32
        %add3A_187 = arith.addi %mul3A_184, %mul3A_186 : i32
        %dma_wait3A_188 = arith.constant 0 : i32
        %dma_wait3A_189 = tpu.memref_slice %arg8[%add3A_187, %dma_wait3A_188] : memref<204800x128xf32, #tpu.memory_space<hbm>> -> memref<128x128xf32, #tpu.memory_space<hbm>>
        %dma_wait3A_190 = arith.constant 0 : i32
        %dma_wait3A_191 = tpu.memref_slice %arg8[%add3A_187, %dma_wait3A_190] : memref<204800x128xf32, #tpu.memory_space<hbm>> -> memref<128x128xf32, #tpu.memory_space<hbm>>
        tpu.wait_dma2 semaphore(%arg24 : memref<!tpu.dma_semaphore, #tpu.memory_space<semaphore_mem>>) src(%arg17 : memref<128x128xf32, #tpu.memory_space<vmem>>) dst(%dma_wait3A_191 : memref<128x128xf32, #tpu.memory_space<hbm>>)
      } else {
      }
      %scan3A_168 = arith.constant 0 : i32
      %scan3A_169 = arith.constant 64 : i32
      %scan3A_170 = arith.addi %scan3A_168, %scan3A_169 : i32
      %scan3A_171 = arith.constant 1 : i32
      scf.for %scan3A_182 = %scan3A_168 to %scan3A_170 step %scan3A_171  : i32 {
        %mul3A_183 = arith.constant 2 : i32
        %mul3A_184 = arith.muli %mul3A_183, %scan3A_182 : i32
        %get3A_185 = arith.index_cast %mul3A_184 : i32 to index
        %get3A_186 = arith.constant 0 : index
        %get3A_187 = tpu.vector_load %arg13[%get3A_185, %get3A_186] {strides = array<i32>} : memref<128x128xf32, #tpu.memory_space<vmem>>, vector<16xf32>,
        %get3A_188 = arith.index_cast %mul3A_184 : i32 to index
        %get3A_189 = arith.constant 0 : index
        %get3A_190 = tpu.vector_load %arg15[%get3A_188, %get3A_189] {strides = array<i32>} : memref<128x128xf32, #tpu.memory_space<vmem>>, vector<16xf32>,
        %add3A_191 = arith.addf %get3A_187, %get3A_190 : vector<16xf32>
        %mul3A_192 = arith.mulf %add3A_191, %add3A_191 : vector<16xf32>
        %get3A_193 = arith.index_cast %mul3A_184 : i32 to index
        %get3A_194 = arith.constant 16 : index
        %get3A_195 = tpu.vector_load %arg13[%get3A_193, %get3A_194] {strides = array<i32>} : memref<128x128xf32, #tpu.memory_space<vmem>>, vector<16xf32>,
        %get3A_196 = arith.index_cast %mul3A_184 : i32 to index
        %get3A_197 = arith.constant 16 : index
        %get3A_198 = tpu.vector_load %arg15[%get3A_196, %get3A_197] {strides = array<i32>} : memref<128x128xf32, #tpu.memory_space<vmem>>, vector<16xf32>,
        %add3A_199 = arith.addf %get3A_195, %get3A_198 : vector<16xf32>
        %add3A_200 = arith.addf %add3A_191, %add3A_199 : vector<16xf32>
        %mul3A_201 = arith.mulf %add3A_199, %add3A_199 : vector<16xf32>
        %add3A_202 = arith.addf %mul3A_192, %mul3A_201 : vector<16xf32>
        %get3A_203 = arith.index_cast %mul3A_184 : i32 to index
        %get3A_204 = arith.constant 32 : index
        %get3A_205 = tpu.vector_load %arg13[%get3A_203, %get3A_204] {strides = array<i32>} : memref<128x128xf32, #tpu.memory_space<vmem>>, vector<16xf32>,
        %get3A_206 = arith.index_cast %mul3A_184 : i32 to index
        %get3A_207 = arith.constant 32 : index
        %get3A_208 = tpu.vector_load %arg15[%get3A_206, %get3A_207] {strides = array<i32>} : memref<128x128xf32, #tpu.memory_space<vmem>>, vector<16xf32>,
        %add3A_209 = arith.addf %get3A_205, %get3A_208 : vector<16xf32>
        %add3A_210 = arith.addf %add3A_200, %add3A_209 : vector<16xf32>
        %mul3A_211 = arith.mulf %add3A_209, %add3A_209 : vector<16xf32>
        %add3A_212 = arith.addf %add3A_202, %mul3A_211 : vector<16xf32>
        %get3A_213 = arith.index_cast %mul3A_184 : i32 to index
        %get3A_214 = arith.constant 48 : index
        %get3A_215 = tpu.vector_load %arg13[%get3A_213, %get3A_214] {strides = array<i32>} : memref<128x128xf32, #tpu.memory_space<vmem>>, vector<16xf32>,
        %get3A_216 = arith.index_cast %mul3A_184 : i32 to index
        %get3A_217 = arith.constant 48 : index
        %get3A_218 = tpu.vector_load %arg15[%get3A_216, %get3A_217] {strides = array<i32>} : memref<128x128xf32, #tpu.memory_space<vmem>>, vector<16xf32>,
        %add3A_219 = arith.addf %get3A_215, %get3A_218 : vector<16xf32>
        %add3A_220 = arith.addf %add3A_210, %add3A_219 : vector<16xf32>
        %mul3A_221 = arith.mulf %add3A_219, %add3A_219 : vector<16xf32>
        %add3A_222 = arith.addf %add3A_212, %mul3A_221 : vector<16xf32>
        %get3A_223 = arith.index_cast %mul3A_184 : i32 to index
        %get3A_224 = arith.constant 64 : index
        %get3A_225 = tpu.vector_load %arg13[%get3A_223, %get3A_224] {strides = array<i32>} : memref<128x128xf32, #tpu.memory_space<vmem>>, vector<16xf32>,
        %get3A_226 = arith.index_cast %mul3A_184 : i32 to index
        %get3A_227 = arith.constant 64 : index
        %get3A_228 = tpu.vector_load %arg15[%get3A_226, %get3A_227] {strides = array<i32>} : memref<128x128xf32, #tpu.memory_space<vmem>>, vector<16xf32>,
        %add3A_229 = arith.addf %get3A_225, %get3A_228 : vector<16xf32>
        %add3A_230 = arith.addf %add3A_220, %add3A_229 : vector<16xf32>
        %mul3A_231 = arith.mulf %add3A_229, %add3A_229 : vector<16xf32>
        %add3A_232 = arith.addf %add3A_222, %mul3A_231 : vector<16xf32>
        %get3A_233 = arith.index_cast %mul3A_184 : i32 to index
        %get3A_234 = arith.constant 80 : index
        %get3A_235 = tpu.vector_load %arg13[%get3A_233, %get3A_234] {strides = array<i32>} : memref<128x128xf32, #tpu.memory_space<vmem>>, vector<16xf32>,
        %get3A_236 = arith.index_cast %mul3A_184 : i32 to index
        %get3A_237 = arith.constant 80 : index
        %get3A_238 = tpu.vector_load %arg15[%get3A_236, %get3A_237] {strides = array<i32>} : memref<128x128xf32, #tpu.memory_space<vmem>>, vector<16xf32>,
        %add3A_239 = arith.addf %get3A_235, %get3A_238 : vector<16xf32>
        %add3A_240 = arith.addf %add3A_230, %add3A_239 : vector<16xf32>
        %mul3A_241 = arith.mulf %add3A_239, %add3A_239 : vector<16xf32>
        %add3A_242 = arith.addf %add3A_232, %mul3A_241 : vector<16xf32>
        %get3A_243 = arith.index_cast %mul3A_184 : i32 to index
        %get3A_244 = arith.constant 96 : index
        %get3A_245 = tpu.vector_load %arg13[%get3A_243, %get3A_244] {strides = array<i32>} : memref<128x128xf32, #tpu.memory_space<vmem>>, vector<16xf32>,
        %get3A_246 = arith.index_cast %mul3A_184 : i32 to index
        %get3A_247 = arith.constant 96 : index
        %get3A_248 = tpu.vector_load %arg15[%get3A_246, %get3A_247] {strides = array<i32>} : memref<128x128xf32, #tpu.memory_space<vmem>>, vector<16xf32>,
        %add3A_249 = arith.addf %get3A_245, %get3A_248 : vector<16xf32>
        %add3A_250 = arith.addf %add3A_240, %add3A_249 : vector<16xf32>
        %mul3A_251 = arith.mulf %add3A_249, %add3A_249 : vector<16xf32>
        %add3A_252 = arith.addf %add3A_242, %mul3A_251 : vector<16xf32>
        %get3A_253 = arith.index_cast %mul3A_184 : i32 to index
        %get3A_254 = arith.constant 112 : index
        %get3A_255 = tpu.vector_load %arg13[%get3A_253, %get3A_254] {strides = array<i32>} : memref<128x128xf32, #tpu.memory_space<vmem>>, vector<16xf32>,
        %get3A_256 = arith.index_cast %mul3A_184 : i32 to index
        %get3A_257 = arith.constant 112 : index
        %get3A_258 = tpu.vector_load %arg15[%get3A_256, %get3A_257] {strides = array<i32>} : memref<128x128xf32, #tpu.memory_space<vmem>>, vector<16xf32>,
        %add3A_259 = arith.addf %get3A_255, %get3A_258 : vector<16xf32>
        %add3A_260 = arith.addf %add3A_250, %add3A_259 : vector<16xf32>
        %mul3A_261 = arith.mulf %add3A_259, %add3A_259 : vector<16xf32>
        %add3A_262 = arith.addf %add3A_252, %mul3A_261 : vector<16xf32>
        %reduce_sum3A = arith.constant true
        %reduce_sum3A_263 = vector.broadcast %reduce_sum3A : i1 to vector<16xi1>
        %reduce_sum3A_264 = tpu.scan <sum>, %add3A_260 masked %reduce_sum3A_263 : vector<16xf32>, vector<16xi1> -> vector<16xf32>
        %reduce_sum3A_265 = vector.extract %reduce_sum3A_264[15] : f32 from vector<16xf32>
        %mul3A_266 = arith.constant 7.812500e-03 : f32
        %mul3A_267 = arith.mulf %reduce_sum3A_265, %mul3A_266 : f32
        %broadcast_in_dim3A = vector.broadcast %mul3A_267 : f32 to vector<16xf32>
        %reduce_sum3A_268 = arith.constant true
        %reduce_sum3A_269 = vector.broadcast %reduce_sum3A_268 : i1 to vector<16xi1>
        %reduce_sum3A_270 = tpu.scan <sum>, %add3A_262 masked %reduce_sum3A_269 : vector<16xf32>, vector<16xi1> -> vector<16xf32>
        %reduce_sum3A_271 = vector.extract %reduce_sum3A_270[15] : f32 from vector<16xf32>
        %mul3A_272 = arith.constant 7.812500e-03 : f32
        %mul3A_273 = arith.mulf %reduce_sum3A_271, %mul3A_272 : f32
        %broadcast_in_dim3A_274 = vector.broadcast %mul3A_273 : f32 to vector<16xf32>
        %mul3A_275 = arith.mulf %broadcast_in_dim3A, %broadcast_in_dim3A : vector<16xf32>
        %sub3A = arith.subf %broadcast_in_dim3A_274, %mul3A_275 : vector<16xf32>
        %add3A_276 = arith.constant 9.99999996E-13 : f32
        %add3A_277 = vector.broadcast %add3A_276 : f32 to vector<16xf32>
        %add3A_278 = arith.addf %sub3A, %add3A_277 : vector<16xf32>
        %bitcast3A = vector.bitcast %add3A_278 : vector<16xf32> to vector<16xi32>
        %shift_right_arithmetic3A = arith.constant 1 : i32
        %shift_right_arithmetic3A_279 = vector.broadcast %shift_right_arithmetic3A : i32 to vector<16xi32>
        %shift_right_arithmetic3A_280 = arith.shrsi %bitcast3A, %shift_right_arithmetic3A_279 : vector<16xi32>
        %sub3A_281 = arith.constant 1597463007 : i32
        %sub3A_282 = vector.broadcast %sub3A_281 : i32 to vector<16xi32>
        %sub3A_283 = arith.subi %sub3A_282, %shift_right_arithmetic3A_280 : vector<16xi32>
        %bitcast3A_284 = vector.bitcast %sub3A_283 : vector<16xi32> to vector<16xf32>
        %mul3A_285 = arith.constant 5.000000e-01 : f32
        %mul3A_286 = vector.broadcast %mul3A_285 : f32 to vector<16xf32>
        %mul3A_287 = arith.mulf %add3A_278, %mul3A_286 : vector<16xf32>
        %mul3A_288 = arith.mulf %mul3A_287, %bitcast3A_284 : vector<16xf32>
        %mul3A_289 = arith.mulf %mul3A_288, %bitcast3A_284 : vector<16xf32>
        %sub3A_290 = arith.constant 1.500000e+00 : f32
        %sub3A_291 = vector.broadcast %sub3A_290 : f32 to vector<16xf32>
        %sub3A_292 = arith.subf %sub3A_291, %mul3A_289 : vector<16xf32>
        %mul3A_293 = arith.mulf %bitcast3A_284, %sub3A_292 : vector<16xf32>
        %sub3A_294 = arith.subf %add3A_191, %broadcast_in_dim3A : vector<16xf32>
        %mul3A_295 = arith.mulf %sub3A_294, %mul3A_293 : vector<16xf32>
        %mul3A_296 = arith.mulf %mul3A_295, %get3A_4 : vector<16xf32>
        %add3A_297 = arith.addf %mul3A_296, %get3A_36 : vector<16xf32>
        %swap3A = arith.index_cast %mul3A_184 : i32 to index
        %swap3A_298 = arith.constant 0 : index
        %swap3A_299 = tpu.vector_load %arg17[%swap3A, %swap3A_298] {strides = array<i32>} : memref<128x128xf32, #tpu.memory_space<vmem>>, vector<16xf32>,
        tpu.vector_store %arg17[%swap3A, %swap3A_298], %add3A_297 {strides = array<i32>} : memref<128x128xf32, #tpu.memory_space<vmem>>, vector<16xf32>,
        %sub3A_300 = arith.subf %add3A_199, %broadcast_in_dim3A : vector<16xf32>
        %mul3A_301 = arith.mulf %sub3A_300, %mul3A_293 : vector<16xf32>
        %mul3A_302 = arith.mulf %mul3A_301, %get3A_8 : vector<16xf32>
        %add3A_303 = arith.addf %mul3A_302, %get3A_40 : vector<16xf32>
        %swap3A_304 = arith.index_cast %mul3A_184 : i32 to index
        %swap3A_305 = arith.constant 16 : index
        %swap3A_306 = tpu.vector_load %arg17[%swap3A_304, %swap3A_305] {strides = array<i32>} : memref<128x128xf32, #tpu.memory_space<vmem>>, vector<16xf32>,
        tpu.vector_store %arg17[%swap3A_304, %swap3A_305], %add3A_303 {strides = array<i32>} : memref<128x128xf32, #tpu.memory_space<vmem>>, vector<16xf32>,
        %sub3A_307 = arith.subf %add3A_209, %broadcast_in_dim3A : vector<16xf32>
        %mul3A_308 = arith.mulf %sub3A_307, %mul3A_293 : vector<16xf32>
        %mul3A_309 = arith.mulf %mul3A_308, %get3A_12 : vector<16xf32>
        %add3A_310 = arith.addf %mul3A_309, %get3A_44 : vector<16xf32>
        %swap3A_311 = arith.index_cast %mul3A_184 : i32 to index
        %swap3A_312 = arith.constant 32 : index
        %swap3A_313 = tpu.vector_load %arg17[%swap3A_311, %swap3A_312] {strides = array<i32>} : memref<128x128xf32, #tpu.memory_space<vmem>>, vector<16xf32>,
        tpu.vector_store %arg17[%swap3A_311, %swap3A_312], %add3A_310 {strides = array<i32>} : memref<128x128xf32, #tpu.memory_space<vmem>>, vector<16xf32>,
        %sub3A_314 = arith.subf %add3A_219, %broadcast_in_dim3A : vector<16xf32>
        %mul3A_315 = arith.mulf %sub3A_314, %mul3A_293 : vector<16xf32>
        %mul3A_316 = arith.mulf %mul3A_315, %get3A_16 : vector<16xf32>
        %add3A_317 = arith.addf %mul3A_316, %get3A_48 : vector<16xf32>
        %swap3A_318 = arith.index_cast %mul3A_184 : i32 to index
        %swap3A_319 = arith.constant 48 : index
        %swap3A_320 = tpu.vector_load %arg17[%swap3A_318, %swap3A_319] {strides = array<i32>} : memref<128x128xf32, #tpu.memory_space<vmem>>, vector<16xf32>,
        tpu.vector_store %arg17[%swap3A_318, %swap3A_319], %add3A_317 {strides = array<i32>} : memref<128x128xf32, #tpu.memory_space<vmem>>, vector<16xf32>,
        %sub3A_321 = arith.subf %add3A_229, %broadcast_in_dim3A : vector<16xf32>
        %mul3A_322 = arith.mulf %sub3A_321, %mul3A_293 : vector<16xf32>
        %mul3A_323 = arith.mulf %mul3A_322, %get3A_20 : vector<16xf32>
        %add3A_324 = arith.addf %mul3A_323, %get3A_52 : vector<16xf32>
        %swap3A_325 = arith.index_cast %mul3A_184 : i32 to index
        %swap3A_326 = arith.constant 64 : index
        %swap3A_327 = tpu.vector_load %arg17[%swap3A_325, %swap3A_326] {strides = array<i32>} : memref<128x128xf32, #tpu.memory_space<vmem>>, vector<16xf32>,
        tpu.vector_store %arg17[%swap3A_325, %swap3A_326], %add3A_324 {strides = array<i32>} : memref<128x128xf32, #tpu.memory_space<vmem>>, vector<16xf32>,
        %sub3A_328 = arith.subf %add3A_239, %broadcast_in_dim3A : vector<16xf32>
        %mul3A_329 = arith.mulf %sub3A_328, %mul3A_293 : vector<16xf32>
        %mul3A_330 = arith.mulf %mul3A_329, %get3A_24 : vector<16xf32>
        %add3A_331 = arith.addf %mul3A_330, %get3A_56 : vector<16xf32>
        %swap3A_332 = arith.index_cast %mul3A_184 : i32 to index
        %swap3A_333 = arith.constant 80 : index
        %swap3A_334 = tpu.vector_load %arg17[%swap3A_332, %swap3A_333] {strides = array<i32>} : memref<128x128xf32, #tpu.memory_space<vmem>>, vector<16xf32>,
        tpu.vector_store %arg17[%swap3A_332, %swap3A_333], %add3A_331 {strides = array<i32>} : memref<128x128xf32, #tpu.memory_space<vmem>>, vector<16xf32>,
        %sub3A_335 = arith.subf %add3A_249, %broadcast_in_dim3A : vector<16xf32>
        %mul3A_336 = arith.mulf %sub3A_335, %mul3A_293 : vector<16xf32>
        %mul3A_337 = arith.mulf %mul3A_336, %get3A_28 : vector<16xf32>
        %add3A_338 = arith.addf %mul3A_337, %get3A_60 : vector<16xf32>
        %swap3A_339 = arith.index_cast %mul3A_184 : i32 to index
        %swap3A_340 = arith.constant 96 : index
        %swap3A_341 = tpu.vector_load %arg17[%swap3A_339, %swap3A_340] {strides = array<i32>} : memref<128x128xf32, #tpu.memory_space<vmem>>, vector<16xf32>,
        tpu.vector_store %arg17[%swap3A_339, %swap3A_340], %add3A_338 {strides = array<i32>} : memref<128x128xf32, #tpu.memory_space<vmem>>, vector<16xf32>,
        %sub3A_342 = arith.subf %add3A_259, %broadcast_in_dim3A : vector<16xf32>
        %mul3A_343 = arith.mulf %sub3A_342, %mul3A_293 : vector<16xf32>
        %mul3A_344 = arith.mulf %mul3A_343, %get3A_32 : vector<16xf32>
        %add3A_345 = arith.addf %mul3A_344, %get3A_64 : vector<16xf32>
        %swap3A_346 = arith.index_cast %mul3A_184 : i32 to index
        %swap3A_347 = arith.constant 112 : index
        %swap3A_348 = tpu.vector_load %arg17[%swap3A_346, %swap3A_347] {strides = array<i32>} : memref<128x128xf32, #tpu.memory_space<vmem>>, vector<16xf32>,
        tpu.vector_store %arg17[%swap3A_346, %swap3A_347], %add3A_345 {strides = array<i32>} : memref<128x128xf32, #tpu.memory_space<vmem>>, vector<16xf32>,
        %mul3A_349 = arith.constant 2 : i32
        %mul3A_350 = arith.muli %mul3A_349, %scan3A_182 : i32
        %add3A_351 = arith.constant 1 : i32
        %add3A_352 = arith.addi %mul3A_350, %add3A_351 : i32
        %get3A_353 = arith.index_cast %add3A_352 : i32 to index
        %get3A_354 = arith.constant 0 : index
        %get3A_355 = tpu.vector_load %arg13[%get3A_353, %get3A_354] {strides = array<i32>} : memref<128x128xf32, #tpu.memory_space<vmem>>, vector<16xf32>,
        %get3A_356 = arith.index_cast %add3A_352 : i32 to index
        %get3A_357 = arith.constant 0 : index
        %get3A_358 = tpu.vector_load %arg15[%get3A_356, %get3A_357] {strides = array<i32>} : memref<128x128xf32, #tpu.memory_space<vmem>>, vector<16xf32>,
        %add3A_359 = arith.addf %get3A_355, %get3A_358 : vector<16xf32>
        %mul3A_360 = arith.mulf %add3A_359, %add3A_359 : vector<16xf32>
        %get3A_361 = arith.index_cast %add3A_352 : i32 to index
        %get3A_362 = arith.constant 16 : index
        %get3A_363 = tpu.vector_load %arg13[%get3A_361, %get3A_362] {strides = array<i32>} : memref<128x128xf32, #tpu.memory_space<vmem>>, vector<16xf32>,
        %get3A_364 = arith.index_cast %add3A_352 : i32 to index
        %get3A_365 = arith.constant 16 : index
        %get3A_366 = tpu.vector_load %arg15[%get3A_364, %get3A_365] {strides = array<i32>} : memref<128x128xf32, #tpu.memory_space<vmem>>, vector<16xf32>,
        %add3A_367 = arith.addf %get3A_363, %get3A_366 : vector<16xf32>
        %add3A_368 = arith.addf %add3A_359, %add3A_367 : vector<16xf32>
        %mul3A_369 = arith.mulf %add3A_367, %add3A_367 : vector<16xf32>
        %add3A_370 = arith.addf %mul3A_360, %mul3A_369 : vector<16xf32>
        %get3A_371 = arith.index_cast %add3A_352 : i32 to index
        %get3A_372 = arith.constant 32 : index
        %get3A_373 = tpu.vector_load %arg13[%get3A_371, %get3A_372] {strides = array<i32>} : memref<128x128xf32, #tpu.memory_space<vmem>>, vector<16xf32>,
        %get3A_374 = arith.index_cast %add3A_352 : i32 to index
        %get3A_375 = arith.constant 32 : index
        %get3A_376 = tpu.vector_load %arg15[%get3A_374, %get3A_375] {strides = array<i32>} : memref<128x128xf32, #tpu.memory_space<vmem>>, vector<16xf32>,
        %add3A_377 = arith.addf %get3A_373, %get3A_376 : vector<16xf32>
        %add3A_378 = arith.addf %add3A_368, %add3A_377 : vector<16xf32>
        %mul3A_379 = arith.mulf %add3A_377, %add3A_377 : vector<16xf32>
        %add3A_380 = arith.addf %add3A_370, %mul3A_379 : vector<16xf32>
        %get3A_381 = arith.index_cast %add3A_352 : i32 to index
        %get3A_382 = arith.constant 48 : index
        %get3A_383 = tpu.vector_load %arg13[%get3A_381, %get3A_382] {strides = array<i32>} : memref<128x128xf32, #tpu.memory_space<vmem>>, vector<16xf32>,
        %get3A_384 = arith.index_cast %add3A_352 : i32 to index
        %get3A_385 = arith.constant 48 : index
        %get3A_386 = tpu.vector_load %arg15[%get3A_384, %get3A_385] {strides = array<i32>} : memref<128x128xf32, #tpu.memory_space<vmem>>, vector<16xf32>,
        %add3A_387 = arith.addf %get3A_383, %get3A_386 : vector<16xf32>
        %add3A_388 = arith.addf %add3A_378, %add3A_387 : vector<16xf32>
        %mul3A_389 = arith.mulf %add3A_387, %add3A_387 : vector<16xf32>
        %add3A_390 = arith.addf %add3A_380, %mul3A_389 : vector<16xf32>
        %get3A_391 = arith.index_cast %add3A_352 : i32 to index
        %get3A_392 = arith.constant 64 : index
        %get3A_393 = tpu.vector_load %arg13[%get3A_391, %get3A_392] {strides = array<i32>} : memref<128x128xf32, #tpu.memory_space<vmem>>, vector<16xf32>,
        %get3A_394 = arith.index_cast %add3A_352 : i32 to index
        %get3A_395 = arith.constant 64 : index
        %get3A_396 = tpu.vector_load %arg15[%get3A_394, %get3A_395] {strides = array<i32>} : memref<128x128xf32, #tpu.memory_space<vmem>>, vector<16xf32>,
        %add3A_397 = arith.addf %get3A_393, %get3A_396 : vector<16xf32>
        %add3A_398 = arith.addf %add3A_388, %add3A_397 : vector<16xf32>
        %mul3A_399 = arith.mulf %add3A_397, %add3A_397 : vector<16xf32>
        %add3A_400 = arith.addf %add3A_390, %mul3A_399 : vector<16xf32>
        %get3A_401 = arith.index_cast %add3A_352 : i32 to index
        %get3A_402 = arith.constant 80 : index
        %get3A_403 = tpu.vector_load %arg13[%get3A_401, %get3A_402] {strides = array<i32>} : memref<128x128xf32, #tpu.memory_space<vmem>>, vector<16xf32>,
        %get3A_404 = arith.index_cast %add3A_352 : i32 to index
        %get3A_405 = arith.constant 80 : index
        %get3A_406 = tpu.vector_load %arg15[%get3A_404, %get3A_405] {strides = array<i32>} : memref<128x128xf32, #tpu.memory_space<vmem>>, vector<16xf32>,
        %add3A_407 = arith.addf %get3A_403, %get3A_406 : vector<16xf32>
        %add3A_408 = arith.addf %add3A_398, %add3A_407 : vector<16xf32>
        %mul3A_409 = arith.mulf %add3A_407, %add3A_407 : vector<16xf32>
        %add3A_410 = arith.addf %add3A_400, %mul3A_409 : vector<16xf32>
        %get3A_411 = arith.index_cast %add3A_352 : i32 to index
        %get3A_412 = arith.constant 96 : index
        %get3A_413 = tpu.vector_load %arg13[%get3A_411, %get3A_412] {strides = array<i32>} : memref<128x128xf32, #tpu.memory_space<vmem>>, vector<16xf32>,
        %get3A_414 = arith.index_cast %add3A_352 : i32 to index
        %get3A_415 = arith.constant 96 : index
        %get3A_416 = tpu.vector_load %arg15[%get3A_414, %get3A_415] {strides = array<i32>} : memref<128x128xf32, #tpu.memory_space<vmem>>, vector<16xf32>,
        %add3A_417 = arith.addf %get3A_413, %get3A_416 : vector<16xf32>
        %add3A_418 = arith.addf %add3A_408, %add3A_417 : vector<16xf32>
        %mul3A_419 = arith.mulf %add3A_417, %add3A_417 : vector<16xf32>
        %add3A_420 = arith.addf %add3A_410, %mul3A_419 : vector<16xf32>
        %get3A_421 = arith.index_cast %add3A_352 : i32 to index
        %get3A_422 = arith.constant 112 : index
        %get3A_423 = tpu.vector_load %arg13[%get3A_421, %get3A_422] {strides = array<i32>} : memref<128x128xf32, #tpu.memory_space<vmem>>, vector<16xf32>,
        %get3A_424 = arith.index_cast %add3A_352 : i32 to index
        %get3A_425 = arith.constant 112 : index
        %get3A_426 = tpu.vector_load %arg15[%get3A_424, %get3A_425] {strides = array<i32>} : memref<128x128xf32, #tpu.memory_space<vmem>>, vector<16xf32>,
        %add3A_427 = arith.addf %get3A_423, %get3A_426 : vector<16xf32>
        %add3A_428 = arith.addf %add3A_418, %add3A_427 : vector<16xf32>
        %mul3A_429 = arith.mulf %add3A_427, %add3A_427 : vector<16xf32>
        %add3A_430 = arith.addf %add3A_420, %mul3A_429 : vector<16xf32>
        %reduce_sum3A_431 = arith.constant true
        %reduce_sum3A_432 = vector.broadcast %reduce_sum3A_431 : i1 to vector<16xi1>
        %reduce_sum3A_433 = tpu.scan <sum>, %add3A_428 masked %reduce_sum3A_432 : vector<16xf32>, vector<16xi1> -> vector<16xf32>
        %reduce_sum3A_434 = vector.extract %reduce_sum3A_433[15] : f32 from vector<16xf32>
        %mul3A_435 = arith.constant 7.812500e-03 : f32
        %mul3A_436 = arith.mulf %reduce_sum3A_434, %mul3A_435 : f32
        %broadcast_in_dim3A_437 = vector.broadcast %mul3A_436 : f32 to vector<16xf32>
        %reduce_sum3A_438 = arith.constant true
        %reduce_sum3A_439 = vector.broadcast %reduce_sum3A_438 : i1 to vector<16xi1>
        %reduce_sum3A_440 = tpu.scan <sum>, %add3A_430 masked %reduce_sum3A_439 : vector<16xf32>, vector<16xi1> -> vector<16xf32>
        %reduce_sum3A_441 = vector.extract %reduce_sum3A_440[15] : f32 from vector<16xf32>
        %mul3A_442 = arith.constant 7.812500e-03 : f32
        %mul3A_443 = arith.mulf %reduce_sum3A_441, %mul3A_442 : f32
        %broadcast_in_dim3A_444 = vector.broadcast %mul3A_443 : f32 to vector<16xf32>
        %mul3A_445 = arith.mulf %broadcast_in_dim3A_437, %broadcast_in_dim3A_437 : vector<16xf32>
        %sub3A_446 = arith.subf %broadcast_in_dim3A_444, %mul3A_445 : vector<16xf32>
        %add3A_447 = arith.constant 9.99999996E-13 : f32
        %add3A_448 = vector.broadcast %add3A_447 : f32 to vector<16xf32>
        %add3A_449 = arith.addf %sub3A_446, %add3A_448 : vector<16xf32>
        %bitcast3A_450 = vector.bitcast %add3A_449 : vector<16xf32> to vector<16xi32>
        %shift_right_arithmetic3A_451 = arith.constant 1 : i32
        %shift_right_arithmetic3A_452 = vector.broadcast %shift_right_arithmetic3A_451 : i32 to vector<16xi32>
        %shift_right_arithmetic3A_453 = arith.shrsi %bitcast3A_450, %shift_right_arithmetic3A_452 : vector<16xi32>
        %sub3A_454 = arith.constant 1597463007 : i32
        %sub3A_455 = vector.broadcast %sub3A_454 : i32 to vector<16xi32>
        %sub3A_456 = arith.subi %sub3A_455, %shift_right_arithmetic3A_453 : vector<16xi32>
        %bitcast3A_457 = vector.bitcast %sub3A_456 : vector<16xi32> to vector<16xf32>
        %mul3A_458 = arith.constant 5.000000e-01 : f32
        %mul3A_459 = vector.broadcast %mul3A_458 : f32 to vector<16xf32>
        %mul3A_460 = arith.mulf %add3A_449, %mul3A_459 : vector<16xf32>
        %mul3A_461 = arith.mulf %mul3A_460, %bitcast3A_457 : vector<16xf32>
        %mul3A_462 = arith.mulf %mul3A_461, %bitcast3A_457 : vector<16xf32>
        %sub3A_463 = arith.constant 1.500000e+00 : f32
        %sub3A_464 = vector.broadcast %sub3A_463 : f32 to vector<16xf32>
        %sub3A_465 = arith.subf %sub3A_464, %mul3A_462 : vector<16xf32>
        %mul3A_466 = arith.mulf %bitcast3A_457, %sub3A_465 : vector<16xf32>
        %sub3A_467 = arith.subf %add3A_359, %broadcast_in_dim3A_437 : vector<16xf32>
        %mul3A_468 = arith.mulf %sub3A_467, %mul3A_466 : vector<16xf32>
        %mul3A_469 = arith.mulf %mul3A_468, %get3A_4 : vector<16xf32>
        %add3A_470 = arith.addf %mul3A_469, %get3A_36 : vector<16xf32>
        %swap3A_471 = arith.index_cast %add3A_352 : i32 to index
        %swap3A_472 = arith.constant 0 : index
        %swap3A_473 = tpu.vector_load %arg17[%swap3A_471, %swap3A_472] {strides = array<i32>} : memref<128x128xf32, #tpu.memory_space<vmem>>, vector<16xf32>,
        tpu.vector_store %arg17[%swap3A_471, %swap3A_472], %add3A_470 {strides = array<i32>} : memref<128x128xf32, #tpu.memory_space<vmem>>, vector<16xf32>,
        %sub3A_474 = arith.subf %add3A_367, %broadcast_in_dim3A_437 : vector<16xf32>
        %mul3A_475 = arith.mulf %sub3A_474, %mul3A_466 : vector<16xf32>
        %mul3A_476 = arith.mulf %mul3A_475, %get3A_8 : vector<16xf32>
        %add3A_477 = arith.addf %mul3A_476, %get3A_40 : vector<16xf32>
        %swap3A_478 = arith.index_cast %add3A_352 : i32 to index
        %swap3A_479 = arith.constant 16 : index
        %swap3A_480 = tpu.vector_load %arg17[%swap3A_478, %swap3A_479] {strides = array<i32>} : memref<128x128xf32, #tpu.memory_space<vmem>>, vector<16xf32>,
        tpu.vector_store %arg17[%swap3A_478, %swap3A_479], %add3A_477 {strides = array<i32>} : memref<128x128xf32, #tpu.memory_space<vmem>>, vector<16xf32>,
        %sub3A_481 = arith.subf %add3A_377, %broadcast_in_dim3A_437 : vector<16xf32>
        %mul3A_482 = arith.mulf %sub3A_481, %mul3A_466 : vector<16xf32>
        %mul3A_483 = arith.mulf %mul3A_482, %get3A_12 : vector<16xf32>
        %add3A_484 = arith.addf %mul3A_483, %get3A_44 : vector<16xf32>
        %swap3A_485 = arith.index_cast %add3A_352 : i32 to index
        %swap3A_486 = arith.constant 32 : index
        %swap3A_487 = tpu.vector_load %arg17[%swap3A_485, %swap3A_486] {strides = array<i32>} : memref<128x128xf32, #tpu.memory_space<vmem>>, vector<16xf32>,
        tpu.vector_store %arg17[%swap3A_485, %swap3A_486], %add3A_484 {strides = array<i32>} : memref<128x128xf32, #tpu.memory_space<vmem>>, vector<16xf32>,
        %sub3A_488 = arith.subf %add3A_387, %broadcast_in_dim3A_437 : vector<16xf32>
        %mul3A_489 = arith.mulf %sub3A_488, %mul3A_466 : vector<16xf32>
        %mul3A_490 = arith.mulf %mul3A_489, %get3A_16 : vector<16xf32>
        %add3A_491 = arith.addf %mul3A_490, %get3A_48 : vector<16xf32>
        %swap3A_492 = arith.index_cast %add3A_352 : i32 to index
        %swap3A_493 = arith.constant 48 : index
        %swap3A_494 = tpu.vector_load %arg17[%swap3A_492, %swap3A_493] {strides = array<i32>} : memref<128x128xf32, #tpu.memory_space<vmem>>, vector<16xf32>,
        tpu.vector_store %arg17[%swap3A_492, %swap3A_493], %add3A_491 {strides = array<i32>} : memref<128x128xf32, #tpu.memory_space<vmem>>, vector<16xf32>,
        %sub3A_495 = arith.subf %add3A_397, %broadcast_in_dim3A_437 : vector<16xf32>
        %mul3A_496 = arith.mulf %sub3A_495, %mul3A_466 : vector<16xf32>
        %mul3A_497 = arith.mulf %mul3A_496, %get3A_20 : vector<16xf32>
        %add3A_498 = arith.addf %mul3A_497, %get3A_52 : vector<16xf32>
        %swap3A_499 = arith.index_cast %add3A_352 : i32 to index
        %swap3A_500 = arith.constant 64 : index
        %swap3A_501 = tpu.vector_load %arg17[%swap3A_499, %swap3A_500] {strides = array<i32>} : memref<128x128xf32, #tpu.memory_space<vmem>>, vector<16xf32>,
        tpu.vector_store %arg17[%swap3A_499, %swap3A_500], %add3A_498 {strides = array<i32>} : memref<128x128xf32, #tpu.memory_space<vmem>>, vector<16xf32>,
        %sub3A_502 = arith.subf %add3A_407, %broadcast_in_dim3A_437 : vector<16xf32>
        %mul3A_503 = arith.mulf %sub3A_502, %mul3A_466 : vector<16xf32>
        %mul3A_504 = arith.mulf %mul3A_503, %get3A_24 : vector<16xf32>
        %add3A_505 = arith.addf %mul3A_504, %get3A_56 : vector<16xf32>
        %swap3A_506 = arith.index_cast %add3A_352 : i32 to index
        %swap3A_507 = arith.constant 80 : index
        %swap3A_508 = tpu.vector_load %arg17[%swap3A_506, %swap3A_507] {strides = array<i32>} : memref<128x128xf32, #tpu.memory_space<vmem>>, vector<16xf32>,
        tpu.vector_store %arg17[%swap3A_506, %swap3A_507], %add3A_505 {strides = array<i32>} : memref<128x128xf32, #tpu.memory_space<vmem>>, vector<16xf32>,
        %sub3A_509 = arith.subf %add3A_417, %broadcast_in_dim3A_437 : vector<16xf32>
        %mul3A_510 = arith.mulf %sub3A_509, %mul3A_466 : vector<16xf32>
        %mul3A_511 = arith.mulf %mul3A_510, %get3A_28 : vector<16xf32>
        %add3A_512 = arith.addf %mul3A_511, %get3A_60 : vector<16xf32>
        %swap3A_513 = arith.index_cast %add3A_352 : i32 to index
        %swap3A_514 = arith.constant 96 : index
        %swap3A_515 = tpu.vector_load %arg17[%swap3A_513, %swap3A_514] {strides = array<i32>} : memref<128x128xf32, #tpu.memory_space<vmem>>, vector<16xf32>,
        tpu.vector_store %arg17[%swap3A_513, %swap3A_514], %add3A_512 {strides = array<i32>} : memref<128x128xf32, #tpu.memory_space<vmem>>, vector<16xf32>,
        %sub3A_516 = arith.subf %add3A_427, %broadcast_in_dim3A_437 : vector<16xf32>
        %mul3A_517 = arith.mulf %sub3A_516, %mul3A_466 : vector<16xf32>
        %mul3A_518 = arith.mulf %mul3A_517, %get3A_32 : vector<16xf32>
        %add3A_519 = arith.addf %mul3A_518, %get3A_64 : vector<16xf32>
        %swap3A_520 = arith.index_cast %add3A_352 : i32 to index
        %swap3A_521 = arith.constant 112 : index
        %swap3A_522 = tpu.vector_load %arg17[%swap3A_520, %swap3A_521] {strides = array<i32>} : memref<128x128xf32, #tpu.memory_space<vmem>>, vector<16xf32>,
        tpu.vector_store %arg17[%swap3A_520, %swap3A_521], %add3A_519 {strides = array<i32>} : memref<128x128xf32, #tpu.memory_space<vmem>>, vector<16xf32>,
      }
      %scan3A_172 = arith.constant 64 : i32
      %mul3A_173 = arith.constant 4096 : i32
      %mul3A_174 = arith.muli %add3A_143, %mul3A_173 : i32
      %mul3A_175 = arith.constant 128 : i32
      %mul3A_176 = arith.muli %add3A, %mul3A_175 : i32
      %add3A_177 = arith.addi %mul3A_174, %mul3A_176 : i32
      %dma_start3A_178 = arith.constant 0 : i32
      %dma_start3A_179 = tpu.memref_slice %arg8[%add3A_177, %dma_start3A_178] : memref<204800x128xf32, #tpu.memory_space<hbm>> -> memref<128x128xf32, #tpu.memory_space<hbm>>
      %dma_start3A_180 = arith.constant 0 : i32
      %dma_start3A_181 = tpu.memref_slice %arg8[%add3A_177, %dma_start3A_180] : memref<204800x128xf32, #tpu.memory_space<hbm>> -> memref<128x128xf32, #tpu.memory_space<hbm>>
      tpu.enqueue_dma source(%arg17 : memref<128x128xf32, #tpu.memory_space<vmem>>) target(%dma_start3A_181 : memref<128x128xf32, #tpu.memory_space<hbm>>) target_semaphore(%arg24 : memref<!tpu.dma_semaphore, #tpu.memory_space<semaphore_mem>>)
    }
    %scan3A_87 = arith.constant 25 : i32
    %mul3A_88 = arith.constant 128 : i32
    %mul3A_89 = arith.muli %add3A, %mul3A_88 : i32
    %add3A_90 = arith.constant 196608 : i32
    %add3A_91 = arith.addi %add3A_90, %mul3A_89 : i32
    %dma_wait3A = arith.constant 0 : i32
    %dma_wait3A_92 = tpu.memref_slice %arg8[%add3A_91, %dma_wait3A] : memref<204800x128xf32, #tpu.memory_space<hbm>> -> memref<128x128xf32, #tpu.memory_space<hbm>>
    %dma_wait3A_93 = arith.constant 0 : i32
    %dma_wait3A_94 = tpu.memref_slice %arg8[%add3A_91, %dma_wait3A_93] : memref<204800x128xf32, #tpu.memory_space<hbm>> -> memref<128x128xf32, #tpu.memory_space<hbm>>
    tpu.wait_dma2 semaphore(%arg23 : memref<!tpu.dma_semaphore, #tpu.memory_space<semaphore_mem>>) src(%arg16 : memref<128x128xf32, #tpu.memory_space<vmem>>) dst(%dma_wait3A_94 : memref<128x128xf32, #tpu.memory_space<hbm>>)
    %mul3A_95 = arith.constant 128 : i32
    %mul3A_96 = arith.muli %add3A, %mul3A_95 : i32
    %add3A_97 = arith.constant 200704 : i32
    %add3A_98 = arith.addi %add3A_97, %mul3A_96 : i32
    %dma_wait3A_99 = arith.constant 0 : i32
    %dma_wait3A_100 = tpu.memref_slice %arg8[%add3A_98, %dma_wait3A_99] : memref<204800x128xf32, #tpu.memory_space<hbm>> -> memref<128x128xf32, #tpu.memory_space<hbm>>
    %dma_wait3A_101 = arith.constant 0 : i32
    %dma_wait3A_102 = tpu.memref_slice %arg8[%add3A_98, %dma_wait3A_101] : memref<204800x128xf32, #tpu.memory_space<hbm>> -> memref<128x128xf32, #tpu.memory_space<hbm>>
    tpu.wait_dma2 semaphore(%arg24 : memref<!tpu.dma_semaphore, #tpu.memory_space<semaphore_mem>>) src(%arg17 : memref<128x128xf32, #tpu.memory_space<vmem>>) dst(%dma_wait3A_102 : memref<128x128xf32, #tpu.memory_space<hbm>>)
    return
  }
}

</mosaic_0001>

<sc_bundles>
// kernel: kernel.3.cloned.1.call-start
scs
__scs_entry_jumppad:
0x0: {  	(pc) =	sbr.rel $0x88, $3  }
0x1: {  	(tag) =	ssettag $0x0;
	lr =	simm.s32 $0x1  }
0x2: {  	[smem:$0x3F9A] =	sst lr;
	_ =	strace $0xD0000000  }
0x3: {  	_ = 	snop  }
0x4: {  	_ = 	snop  }
0x5: {  	_ = 	snop  }
0x6: {  	_ = 	snop  }
0x7: {  	_ = 	snop  }
__scs_overlays_trampoline_lowered:
0x8: {  	[smem:$0x3FA9] =	sst s0  }
0x9: {  	[smem:$0x3FAA] =	sst s1  }
0xa: {  	[smem:$0x3FAB] =	sst s2  }
0xb: {  	[smem:$0x3FAC] =	sst s3  }
0xc: {  	[smem:$0x3FAD] =	sst s4  }
0xd: {  	[smem:$0x3FAE] =	sst s5  }
0xe: {  	[smem:$0x3FAF] =	sst s6  }
0xf: {  	[smem:$0x3FB0] =	sst s7  }
0x10: {  	[smem:$0x3FB1] =	sst s8  }
0x11: {  	[smem:$0x3FB2] =	sst s9;
	s0 =	simm.s32 @!p0 $0x0  }
0x12: {  	s1 =	sld [smem:$0x3F98];
	s0 =	simm.s32 @p0 $0x1  }
0x13: {  	[smem:$0x3FB3] =	sst s0;
	s0 =	simm.s32 @!p1 $0x0  }
0x14: {  	s2 =	sld [smem:$0x3F97];
	s0 =	simm.s32 @p1 $0x1  }
0x15: {  	[smem:$0x3FB4] =	sst s0;
	s0 =	simm.s32 @!p2 $0x0  }
0x16: {  	s3 =	sld [smem:$0x3FDB];
	s0 =	simm.s32 @p2 $0x1  }
0x17: {  	s4 =	simm.s32 $0x1BF5;
	[smem:$0x3FB6] =	sst s0  }
0x18: {  	s0 =	sld [smem:$0x3F99];
	_ =	swait.ge [sflag:s4], $0x0  }
0x19: {  	s7 =	sld [smem:$0x3F9A]  }
0x1a: {  	s8 =	sadd.s32 $0xFFFFE003, lr  }
0x1b: {  	s9 =	sadd.s32 $0xFFFFFEF7, lr;
	s5 =	simm.s32 $0xFFFFFFFF;
	p2 =	slt.u32 s8, $0xFFFFF086  }
0x1c: {  	p1 =	slt.u32 s9, $0xF7A;
	s5 =	simm.s32 @!p2 $0x0  }
0x1d: {  	s5 =	simm.s32 @p1 $0x1;
	p0 =	seq.s32 s7, s2  }
0x1e: {  	s7 =	smul.u32 @!p0 $0xF7A, s2;
	p2 =	seq.s32 @!p0 s5, $0x0  }
0x1f: {  	s9 =	smul.u32 $0xF7A, s1;
	s8 =	simm.s32 @!p0 $0x1BF5;
	p2 =	por !p2, p0  }
0x20: {  	[sflag:s8] =	ssyncset.s32 @!p0 $0xFFFFF086;
	s6 =	sadd.s32 @!p0 s3, s7;
	s7 =	simm.s32 @!p0 $0x108  }
0x21: {  	s3 =	sadd.s32 s3, s9;
	s6 =	sadd.s32 @!p0 $0x88, s6;
	s7 =	simm.s32 @p2 $0x1082  }
0x22: {  	[simem:s7], [sflag:s8] =	dma.local @!p0 [hbm:s6], $0xF7A  }
0x23: {  	s9 =	sor.u32 $0xD0000000, s2;
	s6 =	simm.s32 $0x108;
	_ =	swait.ge @!p0 [sflag:s8], $0x0  }
0x24: {  	s3 =	sadd.s32 $0x88, s3;
	s6 =	simm.s32 @!p1 $0x1082;
	[sflag:s4] =	ssyncset.s32 $0xFFFFF086  }
0x25: {  	[simem:s6], [sflag:s4] =	dma.local [hbm:s3], $0xF7A  }
0x26: {  	[smem:$0x3F9A] =	sst s1;
	(tag) =	ssettag s2;
	_ =	strace s9  }
0x27: {  	s1 =	sld [smem:$0x3FAA]  }
0x28: {  	s2 =	sld [smem:$0x3FAB]  }
0x29: {  	s4 =	sld [smem:$0x3FAD]  }
0x2a: {  	p0 =	seq.s32 s5, $0x0;
	s5 =	sld [smem:$0x3FAE]  }
0x2b: {  	s6 =	sld [smem:$0x3FAF]  }
0x2c: {  	s7 =	sld [smem:$0x3FB0]  }
0x2d: {  	s3 =	simm.s32 $0x108;
	s8 =	sld [smem:$0x3FB1]  }
0x2e: {  	s3 =	simm.s32 @!p0 $0x1082;
	s9 =	sld [smem:$0x3FB2]  }
0x2f: {  	lr =	sadd.s32 s0, s3;
	s0 =	sld [smem:$0x3FA9]  }
0x30: {  	s3 =	sld [smem:$0x3FAC]  }
0x31: {  	[smem:$0x3FB5] =	sst s10  }
0x32: {  	s10 =	sld [smem:$0x3FB3];
	_ =	sdelay $0x3  }
0x33: {  	p0 =	seq.s32 s10, $0x1;
	s10 =	sld [smem:$0x3FB5];
	_ =	sdelay $0x3  }
0x34: {  	[smem:$0x3FB5] =	sst s10  }
0x35: {  	s10 =	sld [smem:$0x3FB4];
	_ =	sdelay $0x3  }
0x36: {  	p1 =	seq.s32 s10, $0x1;
	s10 =	sld [smem:$0x3FB5];
	_ =	sdelay $0x3  }
0x37: {  	[smem:$0x3FB5] =	sst s10  }
0x38: {  	s10 =	sld [smem:$0x3FB6]  }
0x39: {  	_ = 	snop;
	(pc) =	sbr.ind lr, $3  }
0x3a: {  	_ = 	snop  }
0x3b: {  	_ = 	snop  }
0x3c: {  	p2 =	seq.s32 s10, $0x1;
	s10 =	sld [smem:$0x3FB5]  }
0x3d: {  	_ =	shalt  }
0x3e: {  	_ =	shalt  }
0x3f: {  	_ =	shalt  }
0x40: {  	_ =	shalt  }
0x41: {  	_ =	shalt  }
0x42: {  	_ =	shalt  }
0x43: {  	_ =	shalt  }
0x44: {  	_ =	shalt  }
0x45: {  	_ =	shalt  }
0x46: {  	_ =	shalt  }
0x47: {  	_ =	shalt  }
0x48: {  	_ =	shalt  }
0x49: {  	_ =	shalt  }
0x4a: {  	_ =	shalt  }
0x4b: {  	_ =	shalt  }
0x4c: {  	_ =	shalt  }
0x4d: {  	_ =	shalt  }
0x4e: {  	_ =	shalt  }
0x4f: {  	_ =	shalt  }
0x50: {  	_ =	shalt  }
0x51: {  	_ =	shalt  }
0x52: {  	_ =	shalt  }
0x53: {  	_ =	shalt  }
0x54: {  	_ =	shalt  }
0x55: {  	_ =	shalt  }
0x56: {  	_ =	shalt  }
0x57: {  	_ =	shalt  }
0x58: {  	_ =	shalt  }
0x59: {  	_ =	shalt  }
0x5a: {  	_ =	shalt  }
0x5b: {  	_ =	shalt  }
0x5c: {  	_ =	shalt  }
0x5d: {  	_ =	shalt  }
0x5e: {  	_ =	shalt  }
0x5f: {  	_ =	shalt  }
0x60: {  	_ =	shalt  }
0x61: {  	_ =	shalt  }
0x62: {  	_ =	shalt  }
0x63: {  	_ =	shalt  }
0x64: {  	_ =	shalt  }
0x65: {  	_ =	shalt  }
0x66: {  	_ =	shalt  }
0x67: {  	_ =	shalt  }
0x68: {  	_ =	shalt  }
0x69: {  	_ =	shalt  }
0x6a: {  	_ =	shalt  }
0x6b: {  	_ =	shalt  }
0x6c: {  	_ =	shalt  }
0x6d: {  	_ =	shalt  }
0x6e: {  	_ =	shalt  }
0x6f: {  	_ =	shalt  }
0x70: {  	_ =	shalt  }
0x71: {  	_ =	shalt  }
0x72: {  	_ =	shalt  }
0x73: {  	_ =	shalt  }
0x74: {  	_ =	shalt  }
0x75: {  	_ =	shalt  }
0x76: {  	_ =	shalt  }
0x77: {  	_ =	shalt  }
0x78: {  	_ =	shalt  }
0x79: {  	_ =	shalt  }
0x7a: {  	_ =	shalt  }
0x7b: {  	_ =	shalt  }
0x7c: {  	_ =	shalt  }
0x7d: {  	_ =	shalt  }
0x7e: {  	_ =	shalt  }
0x7f: {  	_ =	shalt  }
0x80: {  	_ =	shalt  }
0x81: {  	_ =	shalt  }
0x82: {  	_ =	shalt  }
0x83: {  	_ =	shalt  }
0x84: {  	_ =	shalt  }
0x85: {  	_ =	shalt  }
0x86: {  	_ =	shalt  }
0x87: {  	_ =	shalt  }
.Lfunc_end0:
.L_simem_size_0:
called_computation_lowered:
.L_overlay_start_0:
0x88: {  	s2 =	sld [smem:$0x3FD9]  }
0x89: {  	s3 =	sld [smem:$0x3FFE];
	_ =	sdelay $0x1  }
0x8a: {  	s1 =	srdreg.scid  }
0x8b: {  	s0 =	sand.u32 $0x1, s1  }
0x8c: {  	s15 =	sshll.u32 s0, $0xA;
	s2 =	sadd.s32 s3, s2  }
0x8d: {  	s2 =	sadd.s32 s2, s15  }
0x8e: {  	[smem:$0x3FC1] =	sst s2  }
0x8f: {  	_ = 	snop  }
0x90: {  	s2 =	sld [smem:$0x3FC9]  }
0x91: {  	s16 =	sld [smem:$0x3FC8]  }
0x92: {  	s4 =	sld [smem:$0x3FC6]  }
0x93: {  	s5 =	sld [smem:$0x3FD0]  }
0x94: {  	s6 =	sld [smem:$0x3FC5]  }
0x95: {  	s7 =	sld [smem:$0x3FC4]  }
0x96: {  	s9 =	simm.s32 $0xA;
	s10 =	simm.s32 $0x10;
	s8 =	sld [smem:$0x3FC3]  }
0x97: {  	[smem:s10], [sflag:s9] =	dma.local [hbm:s5], $0x1  }
0x98: {  	_ =	swait.eq [sflag:s9], $0x1  }
0x99: {  	[sflag:s9] =	ssyncset.done $0x0  }
0x9a: {  	[sflag:s9] =	ssyncadd.s32 $0xFFFFFFFF  }
0x9b: {  	s17 =	sld [smem:$0x10];
	(tm) =	ssettm $0x1  }
0x9c: {  	s18 =	sld [smem:$0x3FFB];
	_ =	sdelay $0x3  }
0x9d: {  	_ =	strace s18  }
0x9e: {  	s9 =	sld [smem:$0x3FFC];
	_ =	sdelay $0x3  }
0x9f: {  	_ =	strace s9  }
0xa0: {  	s9 =	sld [smem:$0x3FFD];
	_ =	sdelay $0x3  }
0xa1: {  	_ =	strace s9  }
0xa2: {  	_ =	strace $0x8FFFFFFF  }
0xa3: {  	s19 =	sld [smem:$0x3FDB];
	_ =	sdelay $0x1  }
0xa4: {  	s20 =	simm.s32 $_scs_section_size  }
0xa5: {  	s11 =	simm.s32 $_size__tile_overlayer_lowered;
	s12 =	simm.s32 $_tile_overlayer_lowered  }
0xa6: {  	s23 =	simm.s32 $0x1BFF;
	s22 =	sshll.u32 s12, $0x1;
	s9 =	sadd.s32 s20, s19  }
0xa7: {  	s13 =	simm.s32 $0x0;
	s21 =	sshll.u32 s11, $0x1;
	s11 =	sadd.s32 s22, s9  }
0xa8: {  	[timem:s13], [sflag:s23] =	dma.local [hbm:s11], s21  }
0xa9: {  	_ =	swait.ge [sflag:s23], s21  }
0xaa: {  	s10 =	ssub.s32 $0x0, s21;
	[sflag:s23] =	ssyncset.done $0x0  }
0xab: {  	[sflag:s23] =	ssyncadd.s32 s10;
	_ =	sdelay $0x1  }
0xac: {  	s24 =	simm.s32 $0x1B8B  }
0xad: {  	_ =	swait.ge [sflag:s24], $0x1  }
0xae: {  	[sflag:s24] =	ssyncset.done $0x0  }
0xaf: {  	s25 =	simm.s32 $0x1B8E;
	[sflag:s24] =	ssyncadd.s32 $0xFFFFFFFF  }
0xb0: {  	s26 =	simm.s32 $execute0_lowered;
	[smem:$0x3FD2] =	sst s25  }
0xb1: {  	s10 =	sshll.u32 s26, $0x1;
	_ =	strace $0x80000046;
	[dreg:$0x1] =	wrdreg $0xFFFFFFFF  }
0xb2: {  	s28 =	simm.s32 $_size_execute0_lowered;
	s9 =	sadd.s32 s9, s10;
	[dreg:$0x0] =	wrdreg $0x0  }
0xb3: {  	s10 =	sshll.u32 s28, $0x1;
	[dreg:$0x2] =	wrdreg s9  }
0xb4: {  	[dreg:$0x3] =	wrdreg s10  }
0xb5: {  	[dreg:$0x4] =	wrdreg $0xC0  }
0xb6: {  	_ =	task [dreg:s13], $0x5FFFF  }
0xb7: {  	[dreg:$0x1] =	wrdreg $0xFFFFFFFF  }
0xb8: {  	[dreg:$0x0] =	wrdreg $0x60  }
0xb9: {  	[dreg:$0x2] =	wrdreg s2  }
0xba: {  	[dreg:$0x3] =	wrdreg s16  }
0xbb: {  	[dreg:$0x4] =	wrdreg s4  }
0xbc: {  	[dreg:$0x5] =	wrdreg s6  }
0xbd: {  	[dreg:$0x6] =	wrdreg s7  }
0xbe: {  	[dreg:$0x7] =	wrdreg s8  }
0xbf: {  	[dreg:$0x8] =	wrdreg s17  }
0xc0: {  	[dreg:$0x9] =	wrdreg $0x38000  }
0xc1: {  	[dreg:$0xa] =	wrdreg $0x9  }
0xc2: {  	_ =	task.clear_ibuf [dreg:s13], $0xBFFFF;
	_ =	strace $0x90000046  }
0xc3: {  	s29 =	simm.s32 $0x9;
	_ =	strace $0x80000048  }
0xc4: {  	_ =	swait.ge [sflag:s29], $0x1  }
0xc5: {  	[sflag:s29] =	ssyncadd.s32 $0xFFFFFFFF  }
0xc6: {  	_ =	strace $0x90000048  }
0xc7: {  	_ =	sfence  }
0xc8: {  	s30 =	sld [smem:$0x0];
	_ =	sdelay $0x2  }
0xc9: {  	s31 =	sshll.u32 s1, $0xD;
	s1 =	sshrl.u32 s1, $0x2  }
0xca: {  	s3 =	sand.u32 $0x4000, s31;
	s1 =	sadd.s32 s1, s30  }
0xcb: {  	s0 =	sor.u32 s3, s0;
	s1 =	sshll.u32 s1, $0x11  }
0xcc: {  	s0 =	sor.u32 s1, s0  }
0xcd: {  	s0 =	sadd.s32 $0x8F2B, s0  }
0xce: {  	[sflag:s0] =	ssyncadd.remote.s32 $0x1  }
0xcf: {  	_ =	sfence.sel $0xFFFF  }
0xd0: {  	[dreg:$0x0] =	wrdreg $0xFFFFFFFF;
	(pc) =	sbr.abs _section_cstart, $3  }
0xd1: {  	[dreg:$0x1] =	wrdreg $0xFFFFFFFF  }
0xd2: {  	_ =	task.clear_ibuf [dreg:s13], $0x2FFFF;
	_ =	strace $0x9FFFFFFF  }
0xd3: {  	(tm) =	ssettm $0x7FFFFFFF  }
tec
execute0_lowered:
.L_overlay_start_1:
0x0: {  	(tag) =	ssettag $0x1  }
0x1: {  	s1 =	rddreg [dreg:$0x0]  }
0x2: {  	s2 =	rddreg [dreg:$0x1]  }
0x3: {  	s0 =	rddreg [dreg:$0x2]  }
0x4: {  	s3 =	rddreg [dreg:$0x6]  }
0x5: {  	s5 =	rddreg [dreg:$0x7]  }
0x6: {  	s4 =	srdreg.scid;
	s6 =	simm.s32 $0x0;
	s11 =	stileid.u32  }
0x7: {  	s12 =	simm.s32 $0x7;
	s22 =	simm.s32 $0x80;
	s28 =	simm.s32 $0x1  }
0x8: {  	s29 =	simm.s32 $0x3;
	s30 =	simm.s32 $0x14800;
	s31 =	simm.s32 $0x2  }
0x9: {  	s4 =	sand.u32 $0x1, s4;
	s8 =	sshll.u32 s11, $0x8;
	[smem:$0x7FF] =	sst s6  }
0xa: {  	p0 =	sne.s32 s11, $0x0;
	s11 =	simm.s32 $0x0;
	s7 =	ssub.s32 $0x2, s4  }
0xb: {  	s4 =	sshll.u32 s4, $0x7;
	_ =	strace $0x80000047;
	s9 =	sshrl.u32 s7, $0x1  }
0xc: {  	s21 =	sshrl.u32 @!p0 s5, $0x3;
	s4 =	sor.u32 s4, s8;
	s10 =	ssub.s32 s7, s9  }
0xd: {  	s24 =	sshll.u32 s4, $0x4;
	s7 =	sadd.s32 s1, s4;
	s8 =	sadd.s32 s2, s4  }
0xe: {  	s1 =	simm.s32 $0x4;
	s2 =	simm.s32 $0x18800;
	s4 =	simm.s32 $0x6  }
0xf: {  	s9 =	sadd.s32 s3, s24;
	s25 =	smax.u32 s10, $0x1;
	s26 =	sadd.s32 $0x6000, s7  }
0x10: {  	s19 =	sadd.s32 $0x6000, s8;
	s3 =	simm.s32 $0x5;
	[dreg:$0x9] =	wrdreg s25  }
0x11: {  	[dreg:$0xa] =	wrdreg s26;
	s25 =	simm.s32 $0x8800;
	s26 =	simm.s32 $0x10800  }
.LBB2_1:
0x12: {  	s10 =	rddreg [dreg:$0x4];
	s13 =	simm.s32 $0x1C800  }
0x13: {  	[tilespmem:s13], [sflag:$0x7] =	stream.linear.gather [hbm4b:s10+s6], $0x80, $0x38;
	[tilespmem:$0x1C900] =	vst v63  }
0x14: {  	_ =	swait.ge [sflag:s12], $0x80  }
0x15: {  	[sflag:s12] =	ssyncset.done $0x0  }
0x16: {  	[sflag:s12] =	ssyncadd.s32 $0xFFFFFF80  }
0x17: {  	s15 =	simm.s32 $0x1C880;
	s14 =	rddreg [dreg:$0x5]  }
0x18: {  	[tilespmem:s15], [sflag:$0x7] =	stream.linear.gather [hbm4b:s14+s6], $0x80, $0x38;
	[tilespmem:$0x1C900] =	vst v63  }
0x19: {  	_ =	swait.ge [sflag:s12], $0x80  }
0x1a: {  	[sflag:s12] =	ssyncset.done $0x0  }
0x1b: {  	[sflag:s12] =	ssyncadd.s32 $0xFFFFFF80  }
0x1c: {  	v0 =	vld [tilespmem:$0x1C800]  }
0x1d: {  	v1 =	vld [tilespmem:$0x1C810]  }
0x1e: {  	v2 =	vld [tilespmem:$0x1C820]  }
0x1f: {  	v3 =	vld [tilespmem:$0x1C830]  }
0x20: {  	v4 =	vld [tilespmem:$0x1C840]  }
0x21: {  	v5 =	vld [tilespmem:$0x1C850]  }
0x22: {  	v6 =	vld [tilespmem:$0x1C860]  }
0x23: {  	v7 =	vld [tilespmem:$0x1C870]  }
0x24: {  	v8 =	vld [tilespmem:$0x1C880]  }
0x25: {  	v9 =	vld [tilespmem:$0x1C890]  }
0x26: {  	v10 =	vld [tilespmem:$0x1C8A0]  }
0x27: {  	v11 =	vld [tilespmem:$0x1C8B0]  }
0x28: {  	v12 =	vld [tilespmem:$0x1C8C0]  }
0x29: {  	v13 =	vld [tilespmem:$0x1C8D0]  }
0x2a: {  	s16 =	simm.s32 $0x400;
	s17 =	simm.s32 $0x8000;
	v14 =	vld [tilespmem:$0x1C8E0]  }
0x2b: {  	v15 =	vld [tilespmem:$0x1C8F0];
	[tilespmem:s6], [sflag:$0x7] =	stream.strided.gather [hbm4b:s7+s16], $0x1800, s17, s16, $0x38  }
0x2c: {  	s15 =	simm.s32 $0x1800;
	s14 =	rddreg [dreg:$0xa]  }
0x2d: {  	[tilespmem:s15], [sflag:$0x7] =	stream.linear.gather [hbm4b:s14+s6], $0x100, $0x38;
	[tilespmem:$0x1C900] =	vst v63  }
0x2e: {  	_ =	swait.ge [sflag:s12], $0x1900  }
0x2f: {  	[sflag:s12] =	ssyncset.done $0x0  }
0x30: {  	s18 =	simm.s32 $0x1C00;
	[sflag:s12] =	ssyncadd.s32 $0xFFFFE700  }
0x31: {  	[tilespmem:s18], [sflag:$0x7] =	stream.strided.gather [hbm4b:s8+s16], $0x1800, s17, s16, $0x38;
	[tilespmem:$0x1C900] =	vst v63  }
0x32: {  	s20 =	simm.s32 $0x3400  }
0x33: {  	[tilespmem:s20], [sflag:$0x7] =	stream.linear.gather [hbm4b:s19+s6], $0x100, $0x38;
	[tilespmem:$0x1C900] =	vst v63  }
0x34: {  	_ =	swait.ge [sflag:s12], $0x1900  }
0x35: {  	[sflag:s12] =	ssyncset.done $0x0  }
0x36: {  	[sflag:s12] =	ssyncadd.s32 $0xFFFFE700  }
0x37: {  	s13 =	simm.s32 @!p0 $0x1C07;
	s10 =	rddreg [dreg:$0x3]  }
0x38: {  	[spmem:s21], [sflag:s13] =	dma.local @!p0 [hbm:s10], $0x2000  }
0x39: {  	s13 =	simm.s32 @!p0 $0x7  }
0x3a: {  	_ =	swait.ge @!p0 [sflag:s13], $0x2000  }
0x3b: {  	[sflag:s13] =	ssyncset.done @!p0 $0x0  }
0x3c: {  	[sflag:s13] =	ssyncadd.s32 @!p0 $0xFFFFE000  }
0x3d: {  	s23 =	simm.s32 $0x4800;
	[bflag:$0x0] =	sbarrier.arrive $0xFFFF  }
0x3e: {  	[tilespmem:s23], [sflag:$0x1] =	stream.indirect.gather [hbm4b:s0+s22], $0x80, s6, s22, $0xb8;
	[tilespmem:$0x1C900] =	vst v63  }
0x3f: {  	s24 =	simm.s32 $0xC800;
	s13 =	simm.s32 $0x0  }
0x40: {  	[tilespmem:s24], [sflag:$0x3] =	stream.indirect.gather [spmem:s5], $0x80, s18, s22, $0xb8;
	[tilespmem:$0x1C900] =	vst v63  }
.LBB2_2:
0x41: {  	s17 =	sshllo.u32 s13, $0x1  }
0x42: {  	s14 =	sshll.u32 s17, $0x7  }
0x43: {  	[tilespmem:s25], [sflag:$0x2] =	stream.indirect.gather [hbm4b:s0+s22], $0x80, s14, s22, $0xb8;
	[tilespmem:$0x1C900] =	vst v63  }
0x44: {  	s14 =	sadd.s32 $0x1C00, s14  }
0x45: {  	[tilespmem:s26], [sflag:$0x4] =	stream.indirect.gather [spmem:s5], $0x80, s14, s22, $0xb8;
	[tilespmem:$0x1C900] =	vst v63  }
0x46: {  	_ =	swait.ge [sflag:s28], $0x4000  }
0x47: {  	[sflag:s28] =	ssyncset.done $0x0  }
0x48: {  	[sflag:s28] =	ssyncadd.s32 $0xFFFFC000  }
0x49: {  	_ =	swait.ge [sflag:s29], $0x4000  }
0x4a: {  	p1 =	seq.s32 s13, $0x0;
	[sflag:s29] =	ssyncset.done $0x0  }
0x4b: {  	s14 =	simm.s32 @!p1 $0x5;
	[sflag:s29] =	ssyncadd.s32 $0xFFFFC000  }
0x4c: {  	_ =	swait.ge @!p1 [sflag:s14], $0x4000  }
0x4d: {  	[sflag:s14] =	ssyncset.done @!p1 $0x0  }
0x4e: {  	s20 =	simm.s32 $0x0;
	[sflag:s14] =	ssyncadd.s32 @!p1 $0xFFFFC000  }
0x4f: {  	v16 =	vld [tilespmem:s20+$0x4880]  }
0x50: {  	v17 =	vld [tilespmem:s20+$0xC880]  }
0x51: {  	v18 =	vld [tilespmem:s20+$0x4890]  }
0x52: {  	v19 =	vld [tilespmem:s20+$0xC890]  }
0x53: {  	v20 =	vld [tilespmem:s20+$0x48A0]  }
0x54: {  	v21 =	vld [tilespmem:s20+$0xC8A0]  }
0x55: {  	v22 =	vld [tilespmem:s20+$0x48B0]  }
0x56: {  	v23 =	vld [tilespmem:s20+$0xC8B0]  }
0x57: {  	v33 =	vadd.f32 v17, v16;
	v32 =	vadd.f32 v19, v18;
	v16 =	vld [tilespmem:s20+$0x48C0]  }
0x58: {  	v17 =	vld [tilespmem:s20+$0xC8C0]  }
0x59: {  	v24 =	vld [tilespmem:s20+$0xC8D0];
	v34 =	vadd.f32 v21, v20;
	v19 =	vmul.f32 v33, v33;
	v20 =	vmul.f32 v32, v32  }
0x5a: {  	v18 =	vld [tilespmem:s20+$0x48D0];
	v21 =	vadd.f32 v32, v33  }
0x5b: {  	v25 =	vld [tilespmem:s20+$0x48E0];
	v35 =	vadd.f32 v23, v22;
	v19 =	vadd.f32 v20, v19;
	v20 =	vmul.f32 v34, v34  }
0x5c: {  	v22 =	vld [tilespmem:s20+$0xC8E0];
	v21 =	vadd.f32 v34, v21  }
0x5d: {  	v36 =	vadd.f32 v17, v16;
	v16 =	vld [tilespmem:s20+$0x48F0];
	v17 =	vadd.f32 v20, v19;
	v19 =	vmul.f32 v35, v35  }
0x5e: {  	v20 =	vadd.f32 v35, v21;
	v21 =	vld [tilespmem:s20+$0xC8F0]  }
0x5f: {  	v38 =	vadd.f32 v24, v18;
	v18 =	vmul.f32 v36, v36;
	v17 =	vadd.f32 v19, v17  }
0x60: {  	v19 =	vadd.f32 v36, v20  }
0x61: {  	v37 =	vadd.f32 v22, v25;
	v17 =	vadd.f32 v18, v17;
	v18 =	vmul.f32 v38, v38  }
0x62: {  	v22 =	vld [tilespmem:s20+$0xC810];
	v19 =	vadd.f32 v38, v19  }
0x63: {  	v20 =	vld [tilespmem:s20+$0x4800];
	v23 =	vadd.f32 v21, v16;
	v16 =	vadd.f32 v18, v17;
	v17 =	vmul.f32 v37, v37  }
0x64: {  	v18 =	vld [tilespmem:s20+$0xC800];
	v19 =	vadd.f32 v37, v19  }
0x65: {  	v24 =	vld [tilespmem:s20+$0x4820];
	v16 =	vadd.f32 v17, v16;
	v17 =	vmul.f32 v23, v23  }
0x66: {  	v21 =	vld [tilespmem:s20+$0x4810];
	v19 =	vadd.f32 v23, v19  }
0x67: {  	v16 =	vadd.f32 v17, v16;
	v17 =	vld [tilespmem:s20+$0xC820]  }
0x68: {  	(xrf2) =	vadd.scan.msk.f32 $0xffff, v19;
	v19 =	vld [tilespmem:s20+$0x4830]  }
0x69: {  	v42 =	vadd.f32 v18, v20;
	v18 =	vld [tilespmem:s20+$0x4840]  }
0x6a: {  	v20 =	vld [tilespmem:s20+$0xC840]  }
0x6b: {  	(xrf2) =	vadd.scan.msk.f32 $0xffff, v16;
	v16 =	vld [tilespmem:s20+$0xC830]  }
0x6c: {  	v40 =	vadd.f32 v22, v21;
	_ =	sdelay $0x1  }
0x6d: {  	v26 =	vmul.f32 v40, v40  }
0x6e: {  	v22 =	vld [tilespmem:s20+$0x4850];
	v21 =	vmul.f32 v42, v42;
	v25 =	vadd.f32 v40, v42;
	v41 =	vadd.f32 v17, v24  }
0x6f: {  	v17 =	vld [tilespmem:s20+$0xC850];
	v43 =	vadd.f32 v20, v18;
	v39 =	vadd.f32 v16, v19  }
0x70: {  	v18 =	vld [tilespmem:s20+$0x4870];
	v19 =	vadd.f32 v26, v21;
	v21 =	vadd.f32 v41, v25  }
0x71: {  	v16 =	vld [tilespmem:s20+$0x4860]  }
0x72: {  	v24 =	vmul.f32 v41, v41;
	v25 =	vld [tilespmem:s20+$0xC860]  }
0x73: {  	v26 =	vld [tilespmem:s20+$0xC870];
	v20 =	vadd.f32 v39, v21  }
0x74: {  	v19 =	vadd.f32 v24, v19;
	v24 =	vmul.f32 v39, v39;
	v44 =	vadd.f32 v17, v22;
	v21, _, _ =	vpop (xrf2)  }
0x75: {  	v20 =	vadd.f32 v43, v20;
	(v2sf) =	vpush v21, $0xF;
	v17, _, _ =	vpop (xrf2)  }
0x76: {  	v19 =	vadd.f32 v24, v19;
	(v2sf) =	vpush v17, $0xF  }
0x77: {  	v45 =	vadd.f32 v25, v16;
	v17 =	vmul.f32 v43, v43;
	v16 =	vadd.f32 v44, v20  }
0x78: {  	v46 =	vadd.f32 v26, v18  }
0x79: {  	v20 =	vmul.f32 v44, v44;
	v17 =	vadd.f32 v17, v19;
	v16 =	vadd.f32 v45, v16;
	_ =	sdelay $0x1  }
0x7a: {  	v18 =	vmul.f32 v45, v45;
	v17 =	vadd.f32 v20, v17;
	v16 =	vadd.f32 v46, v16;
	_ =	sdelay $0x1  }
0x7b: {  	v19 =	vmul.f32 v46, v46;
	v17 =	vadd.f32 v18, v17;
	(xrf2) =	vadd.scan.msk.f32 $0xffff, v16;
	_ =	sdelay $0x1  }
0x7c: {  	v16 =	vadd.f32 v19, v17;
	_ =	sdelay $0x1  }
0x7d: {  	s23 =	simm.s32 $0x100;
	(xrf2) =	vadd.scan.msk.f32 $0xffff, v16  }
0x7e: {  	v28 =	vld [tilespmem:s23+$0xC8B0]  }
0x7f: {  	v22 =	vld [tilespmem:s23+$0x4890]  }
0x80: {  	v24 =	vld [tilespmem:s23+$0xC8A0];
	s18 =	spop (v2sf)  }
0x81: {  	v18 =	vld [tilespmem:s23+$0x48A0];
	s14 =	smul.f32 $7.812500000e-03, s18;
	s15 =	spop (v2sf)  }
0x82: {  	v17 =	vld [tilespmem:s23+$0xC880];
	s15 =	smul.f32 $7.812500000e-03, s15  }
0x83: {  	v16 =	vld [tilespmem:s23+$0x4880];
	v20, _, _ =	vpop (xrf2);
	s18 =	smul.f32 s14, s14  }
0x84: {  	(v2sf) =	vpush v20, $0xF;
	v20 =	vld [tilespmem:s23+$0xC890]  }
0x85: {  	v21 =	vld [tilespmem:s23+$0xC8E0];
	s15 =	ssub.f32 s15, s18  }
0x86: {  	v19 =	vld [tilespmem:s23+$0x48E0]  }
0x87: {  	v18 =	vadd.f32 v24, v18;
	v24 =	vld [tilespmem:s23+$0xC8C0];
	v25, _, _ =	vpop (xrf2);
	v27 =	vmov s15  }
0x88: {  	(v2sf) =	vpush v25, $0xF;
	v25 =	vld [tilespmem:s23+$0x48B0];
	v27 =	vadd.f32 $9.999999960e-13, v27  }
0x89: {  	v16 =	vadd.f32 v17, v16;
	v17 =	vadd.f32 v20, v22;
	v22 =	vld [tilespmem:s23+$0x48C0]  }
0x8a: {  	v29 =	vld [tilespmem:s23+$0xC8D0];
	v20 =	vbroadcast v27, $0x0  }
0x8b: {  	v26 =	vld [tilespmem:s23+$0x48D0];
	v48 =	vmul.f32 v16, v16;
	v27 =	vadd.f32 v17, v16  }
0x8c: {  	v47 =	vld [tilespmem:s23+$0x4800];
	v49 =	vmul.f32 v17, v17;
	v30 =	vshra.s32 v20, $0x1;
	v31 =	vmul.f32 $5.000000000e-01, v20  }
0x8d: {  	v50 =	vld [tilespmem:s23+$0xC800];
	v27 =	vadd.f32 v18, v27;
	v20 =	vadd.f32 v28, v25;
	v30 =	vsub.s32 $0x5F3759DF, v30  }
0x8e: {  	v19 =	vadd.f32 v21, v19;
	v28 =	vld [tilespmem:s23+$0x4810];
	v21 =	vadd.f32 v24, v22;
	v25 =	vmul.f32 v30, v31  }
0x8f: {  	v57 =	vmul.f32 v18, v18;
	v24 =	vld [tilespmem:s23+$0x48F0];
	v31 =	vadd.f32 v49, v48;
	v27 =	vadd.f32 v20, v27  }
0x90: {  	v22 =	vadd.f32 v29, v26;
	v26 =	vld [tilespmem:s23+$0xC8F0];
	v25 =	vmul.f32 v30, v25  }
0x91: {  	v29 =	vld [tilespmem:s23+$0xC810];
	v58 =	vmul.f32 v20, v20;
	v31 =	vadd.f32 v57, v31;
	v27 =	vadd.f32 v21, v27  }
0x92: {  	v51 =	vmov s14;
	v25 =	vsub.f32 $1.500000000e+00, v25  }
0x93: {  	v52 =	vld [tilespmem:s23+$0xC820];
	v59 =	vmul.f32 v21, v21;
	v31 =	vadd.f32 v58, v31;
	v27 =	vadd.f32 v22, v27  }
0x94: {  	v62 =	vld [tilespmem:s23+$0xC830];
	v53 =	vmul.f32 v30, v25;
	v25 =	vsub.f32 v23, v51;
	v23 =	vadd.f32 v50, v47  }
0x95: {  	v49 =	vld [tilespmem:s23+$0x4820];
	v61 =	vmul.f32 v22, v22;
	v60 =	vadd.f32 v59, v31;
	v27 =	vadd.f32 v19, v27  }
0x96: {  	s24 =	spop (v2sf);
	v30 =	vld [tilespmem:s23+$0x4830];
	v31 =	vadd.f32 v26, v24;
	v24 =	vadd.f32 v29, v28  }
0x97: {  	s14 =	smul.f32 $7.812500000e-03, s24;
	v29 =	vmul.f32 v19, v19;
	v25 =	vmul.f32 v53, v25;
	v26 =	vadd.f32 v61, v60  }
0x98: {  	v48 =	vld [tilespmem:s23+$0xC840];
	v63 =	vmul.f32 v23, v23;
	v27 =	vadd.f32 v31, v27;
	v58 =	vmul.f32 v24, v24  }
0x99: {  	v28 =	vld [tilespmem:s23+$0x4840];
	s10 =	smul.f32 s14, s14;
	s16 =	spop (v2sf);
	v55 =	vadd.f32 v24, v23;
	v54 =	vmul.f32 v25, v7;
	v29 =	vadd.f32 v29, v26  }
0x9a: {  	v56 =	vld [tilespmem:s23+$0x4850];
	v57 =	vmul.f32 v31, v31;
	s18 =	smul.f32 $7.812500000e-03, s16;
	v25 =	vadd.f32 v52, v49;
	v47 =	vadd.f32 v58, v63  }
0x9b: {  	v49 =	vld [tilespmem:s23+$0xC850];
	(xrf2) =	vadd.scan.msk.f32 $0xffff, v27;
	v26 =	vadd.f32 v62, v30;
	v60 =	vadd.f32 v54, v15  }
0x9c: {  	v63 =	vld [tilespmem:s23+$0xC860];
	s15 =	ssub.f32 s18, s10;
	v29 =	vadd.f32 v57, v29;
	v55 =	vadd.f32 v25, v55  }
0x9d: {  	v33 =	vsub.f32 v33, v51;
	v30 =	vld [tilespmem:s23+$0x4860];
	v62 =	vmul.f32 v25, v25;
	[tilespmem:s20+$0x148F0] =	vst v60  }
0x9e: {  	v27 =	vadd.f32 v48, v28;
	v61 =	vmov s15;
	(xrf2) =	vadd.scan.msk.f32 $0xffff, v29;
	v59 =	vadd.f32 v26, v55;
	v48 =	vld [tilespmem:s23+$0x4870]  }
0x9f: {  	v29 =	vmul.f32 v26, v26;
	v50 =	vadd.f32 $9.999999960e-13, v61;
	v47 =	vadd.f32 v62, v47;
	v54 =	vld [tilespmem:s23+$0xC870]  }
0xa0: {  	v28 =	vadd.f32 v49, v56;
	v52 =	vadd.f32 v27, v59  }
0xa1: {  	v60 =	vmul.f32 v27, v27;
	v61 =	vbroadcast v50, $0x0;
	v47 =	vadd.f32 v29, v47  }
0xa2: {  	v29 =	vadd.f32 v63, v30;
	v52 =	vadd.f32 v28, v52  }
0xa3: {  	v32 =	vsub.f32 v32, v51;
	v56 =	vmul.f32 v28, v28;
	v47 =	vadd.f32 v60, v47  }
0xa4: {  	v63 =	vmul.f32 v29, v29;
	v30 =	vadd.f32 v54, v48;
	v52 =	vadd.f32 v29, v52  }
0xa5: {  	v62 =	vshra.s32 v61, $0x1;
	v49 =	vmul.f32 $5.000000000e-01, v61;
	v47 =	vadd.f32 v56, v47;
	v61, _, _ =	vpop (xrf2)  }
0xa6: {  	(v2sf) =	vpush v61, $0xF;
	v52 =	vadd.f32 v30, v52  }
0xa7: {  	v60 =	vsub.s32 $0x5F3759DF, v62;
	v62 =	vmul.f32 v30, v30;
	v47 =	vadd.f32 v63, v47  }
0xa8: {  	v34 =	vsub.f32 v34, v51;
	v35 =	vsub.f32 v35, v51;
	v63, _, _ =	vpop (xrf2);
	(xrf2) =	vadd.scan.msk.f32 $0xffff, v52  }
0xa9: {  	v49 =	vmul.f32 v60, v49;
	v47 =	vadd.f32 v62, v47;
	(v2sf) =	vpush v63, $0xF  }
0xaa: {  	v36 =	vsub.f32 v36, v51;
	v37 =	vsub.f32 v37, v51;
	v33 =	vmul.f32 v53, v33  }
0xab: {  	v58 =	vsub.f32 v38, v51;
	v50 =	vmov s14;
	v49 =	vmul.f32 v60, v49;
	(xrf2) =	vadd.scan.msk.f32 $0xffff, v47  }
0xac: {  	v32 =	vmul.f32 v53, v32;
	v42 =	vsub.f32 v42, v50;
	v40 =	vsub.f32 v40, v50  }
0xad: {  	v34 =	vmul.f32 v53, v34;
	v41 =	vsub.f32 v41, v50;
	v49 =	vsub.f32 $1.500000000e+00, v49  }
0xae: {  	v51 =	vmul.f32 v53, v36;
	v39 =	vsub.f32 v39, v50;
	v43 =	vsub.f32 v43, v50  }
0xaf: {  	v44 =	vsub.f32 v44, v50;
	v45 =	vsub.f32 v45, v50;
	v48 =	vmul.f32 v60, v49  }
0xb0: {  	v46 =	vsub.f32 v46, v50;
	v50 =	vmul.f32 v53, v35;
	v52 =	vmul.f32 v53, v58  }
0xb1: {  	v53 =	vmul.f32 v53, v37;
	v42 =	vmul.f32 v48, v42  }
0xb2: {  	v57 =	vmul.f32 v48, v40;
	v41 =	vmul.f32 v48, v41;
	v59, _, _ =	vpop (xrf2)  }
0xb3: {  	v49 =	vmul.f32 v48, v39;
	v43 =	vmul.f32 v48, v43;
	(v2sf) =	vpush v59, $0xF  }
0xb4: {  	s24 =	simm.s32 $0x200;
	v44 =	vmul.f32 v48, v44;
	v45 =	vmul.f32 v48, v45  }
0xb5: {  	v38 =	vld [tilespmem:s24+$0xC8E0];
	v46 =	vmul.f32 v48, v46;
	v42 =	vmul.f32 v42, v0;
	s18 =	spop (v2sf);
	v61, _, _ =	vpop (xrf2)  }
0xb6: {  	v36 =	vld [tilespmem:s24+$0xC880];
	v47 =	vmul.f32 v57, v1;
	v41 =	vmul.f32 v41, v2;
	s15 =	smul.f32 $7.812500000e-03, s18;
	(v2sf) =	vpush v61, $0xF  }
0xb7: {  	v35 =	vld [tilespmem:s24+$0x4880];
	v49 =	vmul.f32 v49, v3;
	v60 =	vmul.f32 v43, v4;
	v42 =	vadd.f32 v42, v8  }
0xb8: {  	v40 =	vld [tilespmem:s24+$0x48E0];
	v62 =	vmul.f32 v44, v5;
	v43 =	vmul.f32 v45, v6;
	v47 =	vadd.f32 v47, v9;
	s16 =	smul.f32 s15, s15;
	s10 =	spop (v2sf)  }
0xb9: {  	v39 =	vld [tilespmem:s24+$0x48A0];
	v48 =	vmul.f32 v46, v7;
	v46 =	vmul.f32 v33, v0;
	v41 =	vadd.f32 v41, v10;
	[tilespmem:s20+$0x14800] =	vst v42;
	s14 =	smul.f32 $7.812500000e-03, s10  }
0xba: {  	v44 =	vmul.f32 v34, v2;
	v33 =	vmul.f32 v51, v4;
	v63 =	vadd.f32 v49, v11;
	v37 =	vld [tilespmem:s24+$0x4890];
	[tilespmem:s20+$0x14810] =	vst v47  }
0xbb: {  	v34 =	vmul.f32 v52, v5;
	v49 =	vadd.f32 v60, v12;
	v47 =	vmul.f32 v32, v1;
	v42 =	vld [tilespmem:s24+$0xC890];
	[tilespmem:s20+$0x14820] =	vst v41;
	s18 =	ssub.f32 s14, s16  }
0xbc: {  	v32 =	vmul.f32 v53, v6;
	v41 =	vmul.f32 v50, v3;
	v50 =	vadd.f32 v62, v13;
	v45 =	vld [tilespmem:s24+$0xC8A0];
	[tilespmem:s20+$0x14830] =	vst v63;
	s14 =	simm.s32 $0xC00  }
.LBB2_3:
0xbd: {  	p2 =	sne.s32 s14, $0xFC00;
	v51 =	vld [tilespmem:s24+$0x48D0];
	v52 =	vmov s18;
	[tilespmem:s20+$0x14840] =	vst v49;
	v43 =	vadd.f32 v43, v14;
	v48 =	vadd.f32 v48, v15  }
0xbe: {  	v46 =	vadd.f32 v46, v8;
	v49 =	vld [tilespmem:s24+$0x48B0];
	v52 =	vadd.f32 $9.999999960e-13, v52;
	[tilespmem:s20+$0x14850] =	vst v50  }
0xbf: {  	v44 =	vadd.f32 v44, v10;
	v50 =	vld [tilespmem:s24+$0xC8B0];
	[tilespmem:s20+$0x14860] =	vst v43;
	v43 =	vadd.f32 v47, v9  }
0xc0: {  	v36 =	vadd.f32 v36, v35;
	v37 =	vadd.f32 v42, v37;
	v42 =	vld [tilespmem:s24+$0x48C0];
	v47 =	vbroadcast v52, $0x0;
	[tilespmem:s20+$0x14870] =	vst v48  }
0xc1: {  	v41 =	vadd.f32 v41, v11;
	v35 =	vadd.f32 v45, v39;
	v45 =	vld [tilespmem:s24+$0xC8C0];
	[tilespmem:s20+$0x14880] =	vst v46  }
0xc2: {  	v39 =	vadd.f32 v37, v36;
	v46 =	vld [tilespmem:s24+$0xC8D0];
	v48 =	vshra.s32 v47, $0x1;
	v47 =	vmul.f32 $5.000000000e-01, v47;
	s18 =	spop (v2sf);
	[tilespmem:s20+$0x14890] =	vst v43  }
0xc3: {  	v43 =	vmul.f32 v36, v36;
	v53 =	vmul.f32 v37, v37;
	v52 =	vld [tilespmem:s24+$0x4800];
	s18 =	smul.f32 $7.812500000e-03, s18;
	v48 =	vsub.s32 $0x5F3759DF, v48;
	[tilespmem:s20+$0x148A0] =	vst v44  }
0xc4: {  	v44 =	vld [tilespmem:s24+$0xC800];
	v54 =	vadd.f32 v35, v39;
	v39 =	vadd.f32 v50, v49;
	v47 =	vmul.f32 v48, v47;
	[tilespmem:s20+$0x148B0] =	vst v41  }
0xc5: {  	v43 =	vadd.f32 v53, v43;
	v50 =	vmul.f32 v35, v35;
	v41 =	vadd.f32 v38, v40;
	v49 =	vld [tilespmem:s24+$0x4810];
	s10 =	smul.f32 s18, s18;
	s16 =	spop (v2sf)  }
0xc6: {  	v38 =	vadd.f32 v39, v54;
	v40 =	vadd.f32 v45, v42;
	v45 =	vld [tilespmem:s24+$0x48F0];
	s16 =	smul.f32 $7.812500000e-03, s16;
	v47 =	vmul.f32 v48, v47  }
0xc7: {  	v43 =	vadd.f32 v50, v43;
	v50 =	vmul.f32 v39, v39;
	v42 =	vadd.f32 v46, v51;
	v46 =	vld [tilespmem:s24+$0xC8F0]  }
0xc8: {  	v53 =	vmov s18;
	v51 =	vld [tilespmem:s24+$0xC810];
	v38 =	vadd.f32 v40, v38;
	s10 =	ssub.f32 s16, s10;
	v47 =	vsub.f32 $1.500000000e+00, v47  }
0xc9: {  	v50 =	vadd.f32 v50, v43;
	v55 =	vmul.f32 v40, v40;
	v43 =	vmov s15;
	v54 =	vld [tilespmem:s24+$0x4820]  }
0xca: {  	v56 =	vld [tilespmem:s24+$0xC820];
	v57 =	vadd.f32 v42, v38;
	v38 =	vmul.f32 v48, v47;
	v47 =	vsub.f32 v31, v43  }
0xcb: {  	v44 =	vadd.f32 v44, v52;
	v52 =	vmul.f32 v42, v42;
	v50 =	vadd.f32 v55, v50;
	v48 =	vld [tilespmem:s24+$0x4830]  }
0xcc: {  	v55 =	vld [tilespmem:s24+$0xC830];
	v57 =	vadd.f32 v41, v57;
	v31 =	vadd.f32 v46, v45;
	v45 =	vmul.f32 v38, v47  }
0xcd: {  	v46 =	vadd.f32 v51, v49;
	v47 =	vld [tilespmem:s24+$0x4840];
	v49 =	vadd.f32 v52, v50;
	v50 =	vmul.f32 v41, v41  }
0xce: {  	v51 =	vmul.f32 v44, v44;
	v52 =	vld [tilespmem:s24+$0xC840];
	v57 =	vadd.f32 v31, v57;
	v45 =	vmul.f32 v45, v7  }
0xcf: {  	v58 =	vadd.f32 v46, v44;
	v59 =	vld [tilespmem:s24+$0x4850];
	v49 =	vadd.f32 v50, v49;
	v50 =	vmul.f32 v31, v31  }
0xd0: {  	v60 =	vmul.f32 v46, v46;
	v54 =	vadd.f32 v56, v54;
	v56 =	vld [tilespmem:s24+$0xC850];
	(xrf2) =	vadd.scan.msk.f32 $0xffff, v57;
	v45 =	vadd.f32 v45, v15  }
0xd1: {  	v48 =	vadd.f32 v55, v48;
	v55 =	vld [tilespmem:s24+$0x4860];
	v49 =	vadd.f32 v50, v49;
	v50 =	vmov s10  }
0xd2: {  	v51 =	vadd.f32 v60, v51;
	v57 =	vadd.f32 v54, v58;
	v58 =	vmul.f32 v54, v54;
	v60 =	vld [tilespmem:s24+$0xC860];
	[tilespmem:s23+$0x148F0] =	vst v45  }
0xd3: {  	v45 =	vmul.f32 v48, v48;
	v47 =	vadd.f32 v52, v47;
	v52 =	vld [tilespmem:s24+$0x4870];
	(xrf2) =	vadd.scan.msk.f32 $0xffff, v49;
	v49 =	vadd.f32 $9.999999960e-13, v50  }
0xd4: {  	v50 =	vadd.f32 v58, v51;
	v51 =	vadd.f32 v48, v57;
	v57 =	vld [tilespmem:s24+$0xC870]  }
0xd5: {  	v58 =	vmul.f32 v47, v47;
	v56 =	vadd.f32 v56, v59;
	v49 =	vbroadcast v49, $0x0  }
0xd6: {  	v45 =	vadd.f32 v45, v50;
	v50 =	vadd.f32 v47, v51  }
0xd7: {  	v61 =	vmul.f32 v56, v56;
	v55 =	vadd.f32 v60, v55;
	v59 =	vshra.s32 v49, $0x1  }
0xd8: {  	v45 =	vadd.f32 v58, v45;
	v50 =	vadd.f32 v56, v50;
	v49 =	vmul.f32 $5.000000000e-01, v49  }
0xd9: {  	v58 =	vmul.f32 v55, v55;
	v52 =	vadd.f32 v57, v52;
	v57 =	vsub.s32 $0x5F3759DF, v59  }
0xda: {  	v45 =	vadd.f32 v61, v45;
	v50 =	vadd.f32 v55, v50;
	v51, _, _ =	vpop (xrf2);
	v49 =	vmul.f32 v57, v49  }
0xdb: {  	v60 =	vsub.f32 v23, v53;
	v23 =	vmovc v44;
	v61 =	vsub.f32 v24, v53;
	v59 =	vmul.f32 v52, v52  }
0xdc: {  	v24 =	vmovc v46;
	v44 =	vadd.f32 v58, v45;
	v45 =	vadd.f32 v52, v50;
	v49 =	vmul.f32 v57, v49  }
0xdd: {  	v50 =	vsub.f32 v25, v53;
	v25 =	vmov v54;
	(v2sf) =	vpush v51, $0xF;
	v46, _, _ =	vpop (xrf2)  }
0xde: {  	v44 =	vadd.f32 v59, v44;
	(xrf2) =	vadd.scan.msk.f32 $0xffff, v45;
	(v2sf) =	vpush v46, $0xF  }
0xdf: {  	v45 =	vsub.f32 $1.500000000e+00, v49;
	v46 =	vsub.f32 v26, v53;
	v26 =	vmov v48  }
0xe0: {  	v48 =	vsub.f32 v27, v53;
	v49 =	vsub.f32 v28, v53;
	v27 =	vmovc v47;
	v28 =	vmov v56  }
0xe1: {  	v30 =	vsub.f32 v30, v53;
	(xrf2) =	vadd.scan.msk.f32 $0xffff, v44;
	v44 =	vmul.f32 v57, v45;
	v45 =	vsub.f32 v29, v53  }
0xe2: {  	v51 =	vsub.f32 v17, v43;
	v17 =	vmovc v37;
	v47 =	vsub.f32 v16, v43;
	v16 =	vmovc v36;
	v29 =	vmov v55  }
0xe3: {  	v37 =	vsub.f32 v18, v43;
	v18 =	vmovc v35;
	v53 =	vsub.f32 v20, v43;
	v36 =	vmul.f32 v44, v60  }
0xe4: {  	v54 =	vsub.f32 v21, v43;
	v55 =	vsub.f32 v22, v43;
	v20 =	vmovc v39;
	v35 =	vmul.f32 v44, v61  }
0xe5: {  	v43 =	vsub.f32 v19, v43;
	v19 =	vmovc v41;
	v39 =	vmul.f32 v44, v50;
	v46 =	vmul.f32 v44, v46  }
0xe6: {  	v33 =	vadd.f32 v33, v12;
	v21 =	vmovc v40;
	v41 =	vmul.f32 v44, v48;
	v48 =	vmul.f32 v44, v49  }
0xe7: {  	v40 =	vadd.f32 v34, v13;
	v22 =	vmovc v42;
	v45 =	vmul.f32 v44, v45;
	v44 =	vmul.f32 v44, v30  }
0xe8: {  	v42 =	vmul.f32 v38, v47;
	v47 =	vmul.f32 v38, v51;
	v49 =	vadd.f32 v32, v14;
	v34, _, _ =	vpop (xrf2);
	[tilespmem:s20+$0x148C0] =	vst v33  }
0xe9: {  	v30 =	vmovc v52;
	v33 =	vmul.f32 v38, v37;
	(v2sf) =	vpush v34, $0xF;
	v34 =	vmul.f32 v38, v53;
	[tilespmem:s20+$0x148D0] =	vst v40  }
0xea: {  	v50 =	vmul.f32 v38, v54;
	v51 =	vmul.f32 v38, v55;
	[tilespmem:s20+$0x148E0] =	vst v49;
	s20 =	smov.u32 s23;
	s23 =	smov.u32 s24;
	s24 =	sshra.s32 s14, $0x2  }
0xeb: {  	v52 =	vmul.f32 v38, v43;
	v36 =	vmul.f32 v36, v0;
	v40 =	vld [tilespmem:s24+$0x48E0];
	v32, _, _ =	vpop (xrf2)  }
0xec: {  	v37 =	vmul.f32 v39, v2;
	v38 =	vld [tilespmem:s24+$0xC8E0];
	(v2sf) =	vpush v32, $0xF;
	s10 =	spop (v2sf);
	v32 =	vmul.f32 v35, v1  }
0xed: {  	s15 =	smul.f32 $7.812500000e-03, s10;
	s10 =	spop (v2sf)  }
0xee: {  	v41 =	vmul.f32 v41, v4;
	v53 =	vmul.f32 v46, v3;
	v49 =	vadd.f32 v36, v8;
	v39 =	vld [tilespmem:s24+$0x48A0];
	s10 =	smul.f32 $7.812500000e-03, s10  }
.Ltmp0:
0xef: {  	v54 =	vmul.f32 v48, v5;
	v43 =	vmul.f32 v45, v6;
	v35 =	vld [tilespmem:s24+$0x4880];
	v32 =	vadd.f32 v32, v9;
	(pc) =	sbr.rel @p2 .LBB2_3-.Ltmp0, $4  }
0xf0: {  	v48 =	vmul.f32 v44, v7;
	v46 =	vmul.f32 v42, v0;
	v45 =	vadd.f32 v37, v10;
	v36 =	vld [tilespmem:s24+$0xC880];
	s16 =	smul.f32 s15, s15;
	[tilespmem:s20+$0x14800] =	vst v49  }
0xf1: {  	v47 =	vmul.f32 v47, v1;
	v44 =	vmul.f32 v33, v2;
	v37 =	vld [tilespmem:s24+$0x4890];
	[tilespmem:s20+$0x14810] =	vst v32;
	v32 =	vadd.f32 v53, v11  }
0xf2: {  	v33 =	vmul.f32 v50, v4;
	v49 =	vadd.f32 v41, v12;
	v41 =	vmul.f32 v34, v3;
	v42 =	vld [tilespmem:s24+$0xC890];
	s18 =	ssub.f32 s10, s16;
	[tilespmem:s20+$0x14820] =	vst v45  }
0xf3: {  	s14 =	sadd.s32 $0x400, s14;
	v50 =	vadd.f32 v54, v13;
	v34 =	vmul.f32 v51, v5;
	v45 =	vld [tilespmem:s24+$0xC8A0];
	[tilespmem:s20+$0x14830] =	vst v32;
	v32 =	vmul.f32 v52, v6  }
0xf4: {  	v51 =	vld [tilespmem:s24+$0x48D0];
	[tilespmem:s20+$0x14840] =	vst v49;
	v43 =	vadd.f32 v43, v14  }
0xf5: {  	v48 =	vadd.f32 v48, v15;
	v49 =	vld [tilespmem:s24+$0x48B0];
	[tilespmem:s20+$0x14850] =	vst v50  }
0xf6: {  	v58 =	vmov s18;
	v50 =	vld [tilespmem:s24+$0xC8B0];
	[tilespmem:s20+$0x14860] =	vst v43  }
0xf7: {  	v46 =	vadd.f32 v46, v8;
	v43 =	vld [tilespmem:s24+$0x48C0];
	[tilespmem:s20+$0x14870] =	vst v48;
	v48 =	vadd.f32 $9.999999960e-13, v58  }
0xf8: {  	v47 =	vadd.f32 v47, v9;
	v36 =	vadd.f32 v36, v35  }
0xf9: {  	v44 =	vadd.f32 v44, v10;
	v52 =	vld [tilespmem:s24+$0xC8C0];
	[tilespmem:s20+$0x14880] =	vst v46;
	v59 =	vbroadcast v48, $0x0  }
0xfa: {  	v41 =	vadd.f32 v41, v11;
	v35 =	vadd.f32 v42, v37;
	v62 =	vmul.f32 v36, v36;
	v46 =	vld [tilespmem:s24+$0xC8D0];
	[tilespmem:s20+$0x14890] =	vst v47  }
0xfb: {  	v37 =	vadd.f32 v45, v39;
	v45 =	vld [tilespmem:s24+$0x4800];
	[tilespmem:s20+$0x148A0] =	vst v44;
	v61 =	vshra.s32 v59, $0x1;
	v42 =	vmul.f32 $5.000000000e-01, v59  }
0xfc: {  	v60 =	vadd.f32 v35, v36;
	v63 =	vmul.f32 v35, v35;
	v53 =	vld [tilespmem:s24+$0xC800];
	[tilespmem:s20+$0x148B0] =	vst v41;
	v47 =	vsub.s32 $0x5F3759DF, v61  }
0xfd: {  	v39 =	vadd.f32 v50, v49;
	v49 =	vld [tilespmem:s24+$0x4810];
	v42 =	vmul.f32 v47, v42  }
0xfe: {  	v58 =	vmul.f32 v37, v37;
	v54 =	vadd.f32 v37, v60;
	v57 =	vadd.f32 v63, v62;
	v60 =	vld [tilespmem:s24+$0xC810]  }
0xff: {  	v38 =	vadd.f32 v38, v40;
	v40 =	vadd.f32 v52, v43;
	v43 =	vld [tilespmem:s24+$0x48F0];
	v42 =	vmul.f32 v47, v42  }
0x100: {  	v59 =	vadd.f32 v39, v54;
	v44 =	vadd.f32 v58, v57;
	v50 =	vmul.f32 v39, v39;
	v52 =	vld [tilespmem:s24+$0xC8F0]  }
0x101: {  	v54 =	vmov s15;
	v41 =	vadd.f32 v46, v51;
	v42 =	vsub.f32 $1.500000000e+00, v42  }
0x102: {  	v55 =	vld [tilespmem:s24+$0xC820];
	v48 =	vadd.f32 v40, v59;
	v44 =	vadd.f32 v50, v44;
	v61 =	vmul.f32 v40, v40  }
0x103: {  	v51 =	vld [tilespmem:s24+$0x4820];
	v62 =	vsub.f32 v31, v54;
	v31 =	vadd.f32 v53, v45;
	v42 =	vmul.f32 v47, v42  }
0x104: {  	v56 =	vld [tilespmem:s24+$0xC830];
	v63 =	vmul.f32 v41, v41;
	v48 =	vadd.f32 v41, v48;
	v44 =	vadd.f32 v61, v44  }
0x105: {  	v45 =	vld [tilespmem:s24+$0x4830];
	v50 =	vadd.f32 v52, v43;
	v43 =	vadd.f32 v60, v49;
	v47 =	vmul.f32 v42, v62  }
0x106: {  	v46 =	vld [tilespmem:s24+$0x4840];
	v60 =	vmul.f32 v38, v38;
	v44 =	vadd.f32 v63, v44  }
0x107: {  	v52 =	vld [tilespmem:s24+$0xC840];
	v48 =	vadd.f32 v38, v48;
	v53 =	vadd.f32 v43, v31;
	v47 =	vmul.f32 v47, v7  }
0x108: {  	v57 =	vld [tilespmem:s24+$0x4850];
	v58 =	vmul.f32 v31, v31;
	v49 =	vadd.f32 v60, v44;
	v44 =	vadd.f32 v55, v51  }
0x109: {  	v59 =	vmul.f32 v43, v43;
	v48 =	vadd.f32 v50, v48;
	v51 =	vld [tilespmem:s24+$0xC850];
	v47 =	vadd.f32 v47, v15  }
0x10a: {  	v60 =	vld [tilespmem:s24+$0x4860];
	v45 =	vadd.f32 v56, v45;
	v53 =	vadd.f32 v44, v53  }
0x10b: {  	v55 =	vmul.f32 v50, v50;
	v56 =	vld [tilespmem:s24+$0xC860];
	v61 =	vadd.f32 v59, v58;
	v62 =	vmul.f32 v44, v44;
	[tilespmem:s23+$0x148F0] =	vst v47  }
0x10c: {  	v46 =	vadd.f32 v52, v46;
	v53 =	vadd.f32 v45, v53;
	v52 =	vld [tilespmem:s24+$0x4870]  }
0x10d: {  	v49 =	vadd.f32 v55, v49;
	v63 =	vmul.f32 v45, v45;
	v55 =	vadd.f32 v62, v61;
	v58 =	vld [tilespmem:s24+$0xC870]  }
0x10e: {  	(xrf2) =	vadd.scan.msk.f32 $0xffff, v48;
	v47 =	vadd.f32 v51, v57;
	v59 =	vadd.f32 v46, v53  }
0x10f: {  	(xrf2) =	vadd.scan.msk.f32 $0xffff, v49;
	v61 =	vmul.f32 v46, v46;
	v62 =	vadd.f32 v63, v55  }
0x110: {  	v48 =	vadd.f32 v56, v60;
	v63 =	vadd.f32 v47, v59  }
0x111: {  	v60 =	vmul.f32 v47, v47;
	v51 =	vadd.f32 v61, v62  }
0x112: {  	v61 =	vadd.f32 v48, v63;
	v49 =	vadd.f32 v58, v52  }
0x113: {  	v62 =	vmul.f32 v48, v48;
	v51 =	vadd.f32 v60, v51  }
0x114: {  	v52 =	vadd.f32 v49, v61  }
0x115: {  	v51 =	vadd.f32 v62, v51;
	v63 =	vmul.f32 v49, v49  }
0x116: {  	(xrf2) =	vadd.scan.msk.f32 $0xffff, v52  }
0x117: {  	s10 =	spop (v2sf);
	v51 =	vadd.f32 v63, v51  }
0x118: {  	s10 =	smul.f32 $7.812500000e-03, s10;
	v57, _, _ =	vpop (xrf2)  }
0x119: {  	(v2sf) =	vpush v57, $0xF;
	v58, _, _ =	vpop (xrf2);
	(xrf2) =	vadd.scan.msk.f32 $0xffff, v51  }
0x11a: {  	s14 =	smul.f32 s10, s10;
	s18 =	spop (v2sf);
	(v2sf) =	vpush v58, $0xF  }
0x11b: {  	s15 =	smul.f32 $7.812500000e-03, s18;
	_ =	sdelay $0x1  }
0x11c: {  	s14 =	ssub.f32 s15, s14  }
0x11d: {  	v16 =	vsub.f32 v16, v54;
	v17 =	vsub.f32 v17, v54  }
0x11e: {  	v18 =	vsub.f32 v18, v54;
	v20 =	vsub.f32 v20, v54;
	v59 =	vmov s14  }
0x11f: {  	v21 =	vsub.f32 v21, v54;
	v51 =	vadd.f32 $9.999999960e-13, v59;
	v61, _, _ =	vpop (xrf2)  }
0x120: {  	v16 =	vmul.f32 v42, v16;
	v17 =	vmul.f32 v42, v17;
	(v2sf) =	vpush v61, $0xF  }
0x121: {  	v22 =	vsub.f32 v22, v54;
	v18 =	vmul.f32 v42, v18;
	v51 =	vbroadcast v51, $0x0  }
0x122: {  	v19 =	vsub.f32 v19, v54;
	v20 =	vmul.f32 v42, v20;
	v21 =	vmul.f32 v42, v21;
	v62, _, _ =	vpop (xrf2)  }
0x123: {  	v60 =	vshra.s32 v51, $0x1;
	v51 =	vmul.f32 $5.000000000e-01, v51;
	(v2sf) =	vpush v62, $0xF  }
0x124: {  	v22 =	vmul.f32 v42, v22;
	v19 =	vmul.f32 v42, v19;
	v52 =	vsub.s32 $0x5F3759DF, v60  }
0x125: {  	v33 =	vadd.f32 v33, v12;
	v16 =	vmul.f32 v16, v0;
	v51 =	vmul.f32 v52, v51  }
0x126: {  	v34 =	vadd.f32 v34, v13;
	v17 =	vmul.f32 v17, v1;
	v18 =	vmul.f32 v18, v2  }
0x127: {  	v32 =	vadd.f32 v32, v14;
	v20 =	vmul.f32 v20, v3;
	v51 =	vmul.f32 v52, v51;
	s15 =	spop (v2sf)  }
0x128: {  	v21 =	vmul.f32 v21, v4;
	v16 =	vadd.f32 v16, v8;
	v17 =	vadd.f32 v17, v9;
	s14 =	smul.f32 $7.812500000e-03, s15;
	s16 =	spop (v2sf)  }
0x129: {  	v18 =	vadd.f32 v18, v10;
	v63 =	vmov s10;
	v51 =	vsub.f32 $1.500000000e+00, v51;
	s10 =	smul.f32 $7.812500000e-03, s16  }
0x12a: {  	v22 =	vmul.f32 v22, v5;
	v23 =	vsub.f32 v23, v63;
	v24 =	vsub.f32 v24, v63;
	s18 =	smul.f32 s14, s14  }
0x12b: {  	v25 =	vsub.f32 v25, v63;
	v26 =	vsub.f32 v26, v63;
	v51 =	vmul.f32 v52, v51  }
0x12c: {  	v19 =	vmul.f32 v19, v6;
	v27 =	vsub.f32 v27, v63;
	v28 =	vsub.f32 v28, v63;
	s10 =	ssub.f32 s10, s18  }
0x12d: {  	v29 =	vsub.f32 v29, v63;
	v30 =	vsub.f32 v30, v63;
	v23 =	vmul.f32 v51, v23  }
0x12e: {  	v24 =	vmul.f32 v51, v24;
	v25 =	vmul.f32 v51, v25;
	v57 =	vmov s10  }
0x12f: {  	v26 =	vmul.f32 v51, v26;
	v27 =	vmul.f32 v51, v27;
	v58 =	vadd.f32 $9.999999960e-13, v57;
	s16 =	spop (v2sf)  }
0x130: {  	v20 =	vadd.f32 v20, v11;
	v28 =	vmul.f32 v51, v28;
	v29 =	vmul.f32 v51, v29;
	s10 =	smul.f32 $7.812500000e-03, s16  }
0x131: {  	v21 =	vadd.f32 v21, v12;
	[tilespmem:s20+$0x148C0] =	vst v33;
	v30 =	vmul.f32 v51, v30;
	v51 =	vbroadcast v58, $0x0  }
0x132: {  	v22 =	vadd.f32 v22, v13;
	v19 =	vadd.f32 v19, v14;
	[tilespmem:s20+$0x148D0] =	vst v34;
	s16 =	spop (v2sf);
	s18 =	smul.f32 s10, s10  }
0x133: {  	[tilespmem:s20+$0x148E0] =	vst v32;
	v61 =	vmov s14;
	v59 =	vshra.s32 v51, $0x1;
	v51 =	vmul.f32 $5.000000000e-01, v51;
	s16 =	smul.f32 $7.812500000e-03, s16  }
0x134: {  	[tilespmem:s23+$0x14890] =	vst v17;
	v50 =	vsub.f32 v50, v61;
	v17 =	vsub.f32 v35, v61;
	v52 =	vsub.s32 $0x5F3759DF, v59  }
0x135: {  	[tilespmem:s23+$0x148A0] =	vst v18;
	v18 =	vsub.f32 v39, v61;
	v23 =	vmul.f32 v23, v0;
	v51 =	vmul.f32 v52, v51;
	s15 =	ssub.f32 s16, s18  }
0x136: {  	[tilespmem:s23+$0x148B0] =	vst v20;
	v20 =	vsub.f32 v41, v61;
	v24 =	vmul.f32 v24, v1;
	v25 =	vmul.f32 v25, v2  }
0x137: {  	v26 =	vmul.f32 v26, v3;
	v51 =	vmul.f32 v52, v51;
	v60 =	vmov s15  }
0x138: {  	v27 =	vmul.f32 v27, v4;
	v28 =	vmul.f32 v28, v5;
	v53 =	vadd.f32 $9.999999960e-13, v60  }
0x139: {  	v29 =	vmul.f32 v29, v6;
	v23 =	vadd.f32 v23, v8;
	v51 =	vsub.f32 $1.500000000e+00, v51  }
0x13a: {  	[tilespmem:s23+$0x14880] =	vst v16;
	v30 =	vmul.f32 v30, v7;
	v24 =	vadd.f32 v24, v9;
	v63 =	vbroadcast v53, $0x0  }
0x13b: {  	v25 =	vadd.f32 v25, v10;
	v26 =	vadd.f32 v26, v11;
	[tilespmem:s23+$0x14800] =	vst v23;
	v62 =	vmul.f32 v52, v51  }
0x13c: {  	v27 =	vadd.f32 v27, v12;
	[tilespmem:s23+$0x14810] =	vst v24;
	v53 =	vshra.s32 v63, $0x1;
	v55 =	vmul.f32 $5.000000000e-01, v63  }
0x13d: {  	v23 =	vadd.f32 v30, v15;
	[tilespmem:s23+$0x14820] =	vst v25;
	v52 =	vmul.f32 v62, v50;
	v30 =	vsub.s32 $0x5F3759DF, v53  }
0x13e: {  	v28 =	vadd.f32 v28, v13;
	v29 =	vadd.f32 v29, v14;
	[tilespmem:s23+$0x14830] =	vst v26;
	v56 =	vmul.f32 v30, v55  }
0x13f: {  	[tilespmem:s23+$0x14840] =	vst v27;
	v58 =	vsub.f32 v37, v61;
	v25 =	vmov s10;
	v24 =	vmul.f32 v52, v7  }
0x140: {  	[tilespmem:s23+$0x14850] =	vst v28;
	v59 =	vsub.f32 v40, v61;
	v27 =	vsub.f32 v31, v25;
	v26 =	vmul.f32 v30, v56  }
0x141: {  	[tilespmem:s23+$0x14860] =	vst v29;
	v31 =	vsub.f32 v43, v25;
	v18 =	vmul.f32 v62, v18;
	v24 =	vadd.f32 v24, v15  }
0x142: {  	[tilespmem:s23+$0x14870] =	vst v23;
	v28 =	vsub.f32 v44, v25;
	v17 =	vmul.f32 v62, v17;
	v26 =	vsub.f32 $1.500000000e+00, v26  }
0x143: {  	v29 =	vsub.f32 v45, v25;
	v20 =	vmul.f32 v62, v20;
	v18 =	vmul.f32 v18, v3;
	[tilespmem:s24+$0x148F0] =	vst v24  }
0x144: {  	v57 =	vsub.f32 v46, v25;
	v17 =	vmul.f32 v17, v1;
	[tilespmem:s23+$0x148C0] =	vst v21;
	v26 =	vmul.f32 v30, v26  }
0x145: {  	v23 =	vsub.f32 v47, v25;
	v20 =	vmul.f32 v20, v5;
	v18 =	vadd.f32 v18, v11;
	[tilespmem:s23+$0x148D0] =	vst v22  }
0x146: {  	v16 =	vsub.f32 v49, v25;
	v17 =	vadd.f32 v17, v9;
	[tilespmem:s23+$0x148E0] =	vst v19;
	v31 =	vmul.f32 v26, v31  }
0x147: {  	[tilespmem:s24+$0x148B0] =	vst v18;
	v18 =	vadd.f32 v20, v13;
	v27 =	vmul.f32 v26, v27;
	v28 =	vmul.f32 v26, v28  }
0x148: {  	v30 =	vsub.f32 v48, v25;
	v24 =	vmul.f32 v26, v29;
	v21 =	vmul.f32 v31, v1  }
0x149: {  	v25 =	vsub.f32 v36, v61;
	v16 =	vmul.f32 v26, v16;
	v22 =	vmul.f32 v28, v2  }
0x14a: {  	[tilespmem:s24+$0x14890] =	vst v17;
	v31 =	vmul.f32 v26, v57;
	v19 =	vmul.f32 v24, v3;
	v21 =	vadd.f32 v21, v9  }
0x14b: {  	[tilespmem:s24+$0x148D0] =	vst v18;
	v23 =	vmul.f32 v26, v23;
	v16 =	vmul.f32 v16, v7;
	v22 =	vadd.f32 v22, v10  }
0x14c: {  	v29 =	vsub.f32 v38, v61;
	v28 =	vmul.f32 v31, v4;
	v19 =	vadd.f32 v19, v11;
	[tilespmem:s24+$0x14810] =	vst v21  }
0x14d: {  	v24 =	vmul.f32 v26, v30;
	v23 =	vmul.f32 v23, v5;
	v16 =	vadd.f32 v16, v15;
	[tilespmem:s24+$0x14820] =	vst v22  }
0x14e: {  	v27 =	vmul.f32 v27, v0;
	v21 =	vmul.f32 v62, v25;
	v22 =	vadd.f32 v28, v12;
	[tilespmem:s24+$0x14830] =	vst v19  }
0x14f: {  	v24 =	vmul.f32 v24, v6;
	v19 =	vadd.f32 v23, v13;
	v23 =	vmul.f32 v62, v58;
	[tilespmem:s24+$0x14870] =	vst v16  }
0x150: {  	v27 =	vadd.f32 v27, v8;
	v16 =	vmul.f32 v62, v29;
	v21 =	vmul.f32 v21, v0;
	[tilespmem:s24+$0x14840] =	vst v22  }
0x151: {  	v22 =	vadd.f32 v24, v14;
	[tilespmem:s24+$0x14850] =	vst v19;
	v19 =	vmul.f32 v62, v59;
	v23 =	vmul.f32 v23, v2  }
0x152: {  	[tilespmem:s24+$0x14800] =	vst v27;
	v16 =	vmul.f32 v16, v6;
	v21 =	vadd.f32 v21, v8  }
0x153: {  	[tilespmem:s24+$0x14860] =	vst v22;
	v19 =	vmul.f32 v19, v4;
	v22 =	vadd.f32 v23, v10  }
0x154: {  	v16 =	vadd.f32 v16, v14;
	[tilespmem:s24+$0x14880] =	vst v21  }
0x155: {  	[tilespmem:s24+$0x148A0] =	vst v22;
	v17 =	vadd.f32 v19, v12  }
0x156: {  	s15 =	sshll.u32 s13, $0x11;
	[tilespmem:s24+$0x148E0] =	vst v16  }
0x157: {  	p2 =	seq.s32 s13, $0x18;
	s10 =	sadd.s32 s15, s9;
	[tilespmem:s24+$0x148C0] =	vst v17  }
0x158: {  	[hbm4b:s10+s6] =	stream.linear.scatter [tilespmem:s30], [sflag:$0x5], $0x4000, $0x38;
	[tilespmem:$0x1C900] =	vst v63  }
0x159: {  	s10 =	sshll.u32 @!p2 s13, $0x8  }
0x15a: {  	s16 =	simm.s32 @!p2 $0x4800;
	s15 =	simm.s32 @!p2 $0x80;
	s14 =	sadd.s32 @!p2 $0x100, s10  }
0x15b: {  	[tilespmem:s16], [sflag:$0x1] =	stream.indirect.gather @!p2 [hbm4b:s0+s15], $0x80, s14, s15, $0xb8;
	[tilespmem:$0x1C900] =	vst v63  }
0x15c: {  	s10 =	sadd.s32 @!p2 $0x1D00, s10;
	s14 =	simm.s32 @!p2 $0xC800  }
0x15d: {  	[tilespmem:s14], [sflag:$0x3] =	stream.indirect.gather @!p2 [spmem:s5], $0x80, s10, s15, $0xb8;
	[tilespmem:$0x1C900] =	vst v63  }
0x15e: {  	_ =	swait.ge [sflag:s31], $0x4000  }
0x15f: {  	[sflag:s31] =	ssyncset.done $0x0  }
0x160: {  	[sflag:s31] =	ssyncadd.s32 $0xFFFFC000  }
0x161: {  	_ =	swait.ge [sflag:s1], $0x4000  }
0x162: {  	[sflag:s1] =	ssyncset.done $0x0  }
0x163: {  	s10 =	simm.s32 @!p1 $0x6;
	[sflag:s1] =	ssyncadd.s32 $0xFFFFC000  }
0x164: {  	_ =	swait.ge @!p1 [sflag:s10], $0x4000  }
0x165: {  	[sflag:s10] =	ssyncset.done @!p1 $0x0  }
0x166: {  	s20 =	simm.s32 $0x0;
	[sflag:s10] =	ssyncadd.s32 @!p1 $0xFFFFC000  }
0x167: {  	v16 =	vld [tilespmem:s20+$0x8880]  }
0x168: {  	v17 =	vld [tilespmem:s20+$0x10880]  }
0x169: {  	v18 =	vld [tilespmem:s20+$0x8890]  }
0x16a: {  	v19 =	vld [tilespmem:s20+$0x10890]  }
0x16b: {  	v20 =	vld [tilespmem:s20+$0x88A0]  }
0x16c: {  	v21 =	vld [tilespmem:s20+$0x108A0]  }
0x16d: {  	v22 =	vld [tilespmem:s20+$0x88B0]  }
0x16e: {  	v23 =	vld [tilespmem:s20+$0x108B0]  }
0x16f: {  	v33 =	vadd.f32 v17, v16;
	v32 =	vadd.f32 v19, v18;
	v16 =	vld [tilespmem:s20+$0x88C0]  }
0x170: {  	v17 =	vld [tilespmem:s20+$0x108C0]  }
0x171: {  	v24 =	vld [tilespmem:s20+$0x108D0];
	v34 =	vadd.f32 v21, v20;
	v19 =	vmul.f32 v33, v33;
	v20 =	vmul.f32 v32, v32  }
0x172: {  	v18 =	vld [tilespmem:s20+$0x88D0];
	v21 =	vadd.f32 v32, v33  }
0x173: {  	v25 =	vld [tilespmem:s20+$0x88E0];
	v35 =	vadd.f32 v23, v22;
	v19 =	vadd.f32 v20, v19;
	v20 =	vmul.f32 v34, v34  }
0x174: {  	v22 =	vld [tilespmem:s20+$0x108E0];
	v21 =	vadd.f32 v34, v21  }
0x175: {  	v36 =	vadd.f32 v17, v16;
	v16 =	vld [tilespmem:s20+$0x88F0];
	v17 =	vadd.f32 v20, v19;
	v19 =	vmul.f32 v35, v35  }
0x176: {  	v20 =	vadd.f32 v35, v21;
	v21 =	vld [tilespmem:s20+$0x108F0]  }
0x177: {  	v38 =	vadd.f32 v24, v18;
	v18 =	vmul.f32 v36, v36;
	v17 =	vadd.f32 v19, v17  }
0x178: {  	v19 =	vadd.f32 v36, v20  }
0x179: {  	v37 =	vadd.f32 v22, v25;
	v17 =	vadd.f32 v18, v17;
	v18 =	vmul.f32 v38, v38  }
0x17a: {  	v22 =	vld [tilespmem:s20+$0x10810];
	v19 =	vadd.f32 v38, v19  }
0x17b: {  	v20 =	vld [tilespmem:s20+$0x8800];
	v23 =	vadd.f32 v21, v16;
	v16 =	vadd.f32 v18, v17;
	v17 =	vmul.f32 v37, v37  }
0x17c: {  	v18 =	vld [tilespmem:s20+$0x10800];
	v19 =	vadd.f32 v37, v19  }
0x17d: {  	v24 =	vld [tilespmem:s20+$0x8820];
	v16 =	vadd.f32 v17, v16;
	v17 =	vmul.f32 v23, v23  }
0x17e: {  	v21 =	vld [tilespmem:s20+$0x8810];
	v19 =	vadd.f32 v23, v19  }
0x17f: {  	v16 =	vadd.f32 v17, v16;
	v17 =	vld [tilespmem:s20+$0x10820]  }
0x180: {  	(xrf2) =	vadd.scan.msk.f32 $0xffff, v19;
	v19 =	vld [tilespmem:s20+$0x8830]  }
0x181: {  	v42 =	vadd.f32 v18, v20;
	v18 =	vld [tilespmem:s20+$0x8840]  }
0x182: {  	v20 =	vld [tilespmem:s20+$0x10840]  }
0x183: {  	(xrf2) =	vadd.scan.msk.f32 $0xffff, v16;
	v16 =	vld [tilespmem:s20+$0x10830]  }
0x184: {  	v40 =	vadd.f32 v22, v21;
	_ =	sdelay $0x1  }
0x185: {  	v26 =	vmul.f32 v40, v40  }
0x186: {  	v22 =	vld [tilespmem:s20+$0x8850];
	v21 =	vmul.f32 v42, v42;
	v25 =	vadd.f32 v40, v42;
	v41 =	vadd.f32 v17, v24  }
0x187: {  	v17 =	vld [tilespmem:s20+$0x10850];
	v43 =	vadd.f32 v20, v18;
	v39 =	vadd.f32 v16, v19  }
0x188: {  	v18 =	vld [tilespmem:s20+$0x8870];
	v19 =	vadd.f32 v26, v21;
	v21 =	vadd.f32 v41, v25  }
0x189: {  	v16 =	vld [tilespmem:s20+$0x8860]  }
0x18a: {  	v24 =	vmul.f32 v41, v41;
	v25 =	vld [tilespmem:s20+$0x10860]  }
0x18b: {  	v26 =	vld [tilespmem:s20+$0x10870];
	v20 =	vadd.f32 v39, v21  }
0x18c: {  	v19 =	vadd.f32 v24, v19;
	v24 =	vmul.f32 v39, v39;
	v44 =	vadd.f32 v17, v22;
	v21, _, _ =	vpop (xrf2)  }
0x18d: {  	v20 =	vadd.f32 v43, v20;
	(v2sf) =	vpush v21, $0xF;
	v17, _, _ =	vpop (xrf2)  }
0x18e: {  	v19 =	vadd.f32 v24, v19;
	(v2sf) =	vpush v17, $0xF  }
0x18f: {  	v45 =	vadd.f32 v25, v16;
	v17 =	vmul.f32 v43, v43;
	v16 =	vadd.f32 v44, v20  }
0x190: {  	v46 =	vadd.f32 v26, v18  }
0x191: {  	v20 =	vmul.f32 v44, v44;
	v17 =	vadd.f32 v17, v19;
	v16 =	vadd.f32 v45, v16;
	_ =	sdelay $0x1  }
0x192: {  	v18 =	vmul.f32 v45, v45;
	v17 =	vadd.f32 v20, v17;
	v16 =	vadd.f32 v46, v16;
	_ =	sdelay $0x1  }
0x193: {  	v19 =	vmul.f32 v46, v46;
	v17 =	vadd.f32 v18, v17;
	(xrf2) =	vadd.scan.msk.f32 $0xffff, v16;
	_ =	sdelay $0x1  }
0x194: {  	v16 =	vadd.f32 v19, v17;
	_ =	sdelay $0x1  }
0x195: {  	s23 =	simm.s32 $0x100;
	(xrf2) =	vadd.scan.msk.f32 $0xffff, v16  }
0x196: {  	v28 =	vld [tilespmem:s23+$0x108B0]  }
0x197: {  	v22 =	vld [tilespmem:s23+$0x8890]  }
0x198: {  	v24 =	vld [tilespmem:s23+$0x108A0];
	s16 =	spop (v2sf)  }
0x199: {  	v18 =	vld [tilespmem:s23+$0x88A0];
	s10 =	smul.f32 $7.812500000e-03, s16;
	s18 =	spop (v2sf)  }
0x19a: {  	v17 =	vld [tilespmem:s23+$0x10880];
	s14 =	smul.f32 $7.812500000e-03, s18  }
0x19b: {  	v16 =	vld [tilespmem:s23+$0x8880];
	v20, _, _ =	vpop (xrf2);
	s24 =	smul.f32 s10, s10  }
0x19c: {  	(v2sf) =	vpush v20, $0xF;
	v20 =	vld [tilespmem:s23+$0x10890]  }
0x19d: {  	v21 =	vld [tilespmem:s23+$0x108E0];
	s14 =	ssub.f32 s14, s24  }
0x19e: {  	v19 =	vld [tilespmem:s23+$0x88E0]  }
0x19f: {  	v18 =	vadd.f32 v24, v18;
	v24 =	vld [tilespmem:s23+$0x108C0];
	v25, _, _ =	vpop (xrf2);
	v27 =	vmov s14  }
0x1a0: {  	(v2sf) =	vpush v25, $0xF;
	v25 =	vld [tilespmem:s23+$0x88B0];
	v27 =	vadd.f32 $9.999999960e-13, v27  }
0x1a1: {  	v16 =	vadd.f32 v17, v16;
	v17 =	vadd.f32 v20, v22;
	v22 =	vld [tilespmem:s23+$0x88C0]  }
0x1a2: {  	v29 =	vld [tilespmem:s23+$0x108D0];
	v20 =	vbroadcast v27, $0x0  }
0x1a3: {  	v26 =	vld [tilespmem:s23+$0x88D0];
	v61 =	vmul.f32 v16, v16;
	v27 =	vadd.f32 v17, v16  }
0x1a4: {  	v60 =	vld [tilespmem:s23+$0x8800];
	v62 =	vmul.f32 v17, v17;
	v30 =	vshra.s32 v20, $0x1;
	v31 =	vmul.f32 $5.000000000e-01, v20  }
0x1a5: {  	v63 =	vld [tilespmem:s23+$0x10800];
	v27 =	vadd.f32 v18, v27;
	v20 =	vadd.f32 v28, v25;
	v30 =	vsub.s32 $0x5F3759DF, v30  }
0x1a6: {  	v19 =	vadd.f32 v21, v19;
	v28 =	vld [tilespmem:s23+$0x8810];
	v21 =	vadd.f32 v24, v22;
	v25 =	vmul.f32 v30, v31  }
0x1a7: {  	v56 =	vmul.f32 v18, v18;
	v24 =	vld [tilespmem:s23+$0x88F0];
	v31 =	vadd.f32 v62, v61;
	v27 =	vadd.f32 v20, v27  }
0x1a8: {  	v22 =	vadd.f32 v29, v26;
	v26 =	vld [tilespmem:s23+$0x108F0];
	v25 =	vmul.f32 v30, v25  }
0x1a9: {  	v29 =	vld [tilespmem:s23+$0x10810];
	v57 =	vmul.f32 v20, v20;
	v31 =	vadd.f32 v56, v31;
	v27 =	vadd.f32 v21, v27  }
0x1aa: {  	v51 =	vmov s10;
	v25 =	vsub.f32 $1.500000000e+00, v25  }
0x1ab: {  	v49 =	vld [tilespmem:s23+$0x8820];
	v58 =	vmul.f32 v21, v21;
	v31 =	vadd.f32 v57, v31;
	v27 =	vadd.f32 v22, v27  }
0x1ac: {  	v52 =	vld [tilespmem:s23+$0x10820];
	v53 =	vmul.f32 v30, v25;
	v25 =	vsub.f32 v23, v51;
	v23 =	vadd.f32 v63, v60  }
0x1ad: {  	v50 =	vld [tilespmem:s23+$0x10830];
	v59 =	vadd.f32 v58, v31;
	v60 =	vmul.f32 v22, v22;
	v27 =	vadd.f32 v19, v27  }
0x1ae: {  	s16 =	spop (v2sf);
	v30 =	vld [tilespmem:s23+$0x8830];
	v31 =	vadd.f32 v26, v24;
	v24 =	vadd.f32 v29, v28  }
0x1af: {  	s10 =	smul.f32 $7.812500000e-03, s16;
	v29 =	vmul.f32 v19, v19;
	v25 =	vmul.f32 v53, v25;
	v26 =	vadd.f32 v60, v59  }
0x1b0: {  	v48 =	vld [tilespmem:s23+$0x10840];
	v47 =	vmul.f32 v23, v23;
	v27 =	vadd.f32 v31, v27;
	v63 =	vmul.f32 v24, v24  }
0x1b1: {  	v28 =	vld [tilespmem:s23+$0x8840];
	s18 =	smul.f32 s10, s10;
	s24 =	spop (v2sf);
	v55 =	vadd.f32 v24, v23;
	v61 =	vmul.f32 v25, v7;
	v29 =	vadd.f32 v29, v26  }
0x1b2: {  	v56 =	vld [tilespmem:s23+$0x8850];
	v62 =	vmul.f32 v31, v31;
	s15 =	smul.f32 $7.812500000e-03, s24;
	v25 =	vadd.f32 v52, v49;
	v47 =	vadd.f32 v63, v47  }
0x1b3: {  	v49 =	vld [tilespmem:s23+$0x10850];
	(xrf2) =	vadd.scan.msk.f32 $0xffff, v27;
	v26 =	vadd.f32 v50, v30;
	v60 =	vadd.f32 v61, v15  }
0x1b4: {  	v63 =	vld [tilespmem:s23+$0x10860];
	s14 =	ssub.f32 s15, s18;
	v29 =	vadd.f32 v62, v29;
	v55 =	vadd.f32 v25, v55  }
0x1b5: {  	v33 =	vsub.f32 v33, v51;
	v32 =	vsub.f32 v32, v51;
	v30 =	vld [tilespmem:s23+$0x8860];
	v62 =	vmul.f32 v25, v25;
	[tilespmem:s20+$0x188F0] =	vst v60  }
0x1b6: {  	v27 =	vadd.f32 v48, v28;
	v61 =	vmov s14;
	(xrf2) =	vadd.scan.msk.f32 $0xffff, v29;
	v59 =	vadd.f32 v26, v55;
	v48 =	vld [tilespmem:s23+$0x8870]  }
0x1b7: {  	v29 =	vmul.f32 v26, v26;
	v50 =	vadd.f32 $9.999999960e-13, v61;
	v47 =	vadd.f32 v62, v47;
	v54 =	vld [tilespmem:s23+$0x10870]  }
0x1b8: {  	v28 =	vadd.f32 v49, v56;
	v52 =	vadd.f32 v27, v59  }
0x1b9: {  	v60 =	vmul.f32 v27, v27;
	v61 =	vbroadcast v50, $0x0;
	v47 =	vadd.f32 v29, v47  }
0x1ba: {  	v29 =	vadd.f32 v63, v30;
	v52 =	vadd.f32 v28, v52  }
0x1bb: {  	v34 =	vsub.f32 v34, v51;
	v56 =	vmul.f32 v28, v28;
	v47 =	vadd.f32 v60, v47  }
0x1bc: {  	v63 =	vmul.f32 v29, v29;
	v30 =	vadd.f32 v54, v48;
	v52 =	vadd.f32 v29, v52  }
0x1bd: {  	v62 =	vshra.s32 v61, $0x1;
	v49 =	vmul.f32 $5.000000000e-01, v61;
	v47 =	vadd.f32 v56, v47;
	v61, _, _ =	vpop (xrf2)  }
0x1be: {  	(v2sf) =	vpush v61, $0xF;
	v52 =	vadd.f32 v30, v52  }
0x1bf: {  	v60 =	vsub.s32 $0x5F3759DF, v62;
	v62 =	vmul.f32 v30, v30;
	v47 =	vadd.f32 v63, v47  }
0x1c0: {  	v35 =	vsub.f32 v35, v51;
	v36 =	vsub.f32 v36, v51;
	v63, _, _ =	vpop (xrf2);
	(xrf2) =	vadd.scan.msk.f32 $0xffff, v52  }
0x1c1: {  	v49 =	vmul.f32 v60, v49;
	v47 =	vadd.f32 v62, v47;
	(v2sf) =	vpush v63, $0xF  }
0x1c2: {  	v37 =	vsub.f32 v37, v51;
	v58 =	vsub.f32 v38, v51  }
0x1c3: {  	v33 =	vmul.f32 v53, v33;
	v50 =	vmov s10;
	v49 =	vmul.f32 v60, v49;
	(xrf2) =	vadd.scan.msk.f32 $0xffff, v47  }
0x1c4: {  	v32 =	vmul.f32 v53, v32;
	v42 =	vsub.f32 v42, v50;
	v40 =	vsub.f32 v40, v50  }
0x1c5: {  	v34 =	vmul.f32 v53, v34;
	v41 =	vsub.f32 v41, v50;
	v49 =	vsub.f32 $1.500000000e+00, v49  }
0x1c6: {  	v51 =	vmul.f32 v53, v36;
	v39 =	vsub.f32 v39, v50;
	v43 =	vsub.f32 v43, v50  }
0x1c7: {  	v44 =	vsub.f32 v44, v50;
	v45 =	vsub.f32 v45, v50;
	v48 =	vmul.f32 v60, v49  }
0x1c8: {  	v46 =	vsub.f32 v46, v50;
	v50 =	vmul.f32 v53, v35;
	v52 =	vmul.f32 v53, v58  }
0x1c9: {  	v53 =	vmul.f32 v53, v37;
	v42 =	vmul.f32 v48, v42  }
0x1ca: {  	v57 =	vmul.f32 v48, v40;
	v41 =	vmul.f32 v48, v41;
	v59, _, _ =	vpop (xrf2)  }
0x1cb: {  	v49 =	vmul.f32 v48, v39;
	v43 =	vmul.f32 v48, v43;
	(v2sf) =	vpush v59, $0xF  }
0x1cc: {  	s24 =	simm.s32 $0x200;
	v44 =	vmul.f32 v48, v44;
	v45 =	vmul.f32 v48, v45  }
0x1cd: {  	v38 =	vld [tilespmem:s24+$0x108E0];
	v46 =	vmul.f32 v48, v46;
	v42 =	vmul.f32 v42, v0;
	s15 =	spop (v2sf);
	v61, _, _ =	vpop (xrf2)  }
0x1ce: {  	v36 =	vld [tilespmem:s24+$0x10880];
	v47 =	vmul.f32 v57, v1;
	v41 =	vmul.f32 v41, v2;
	s15 =	smul.f32 $7.812500000e-03, s15;
	(v2sf) =	vpush v61, $0xF  }
0x1cf: {  	v35 =	vld [tilespmem:s24+$0x8880];
	v49 =	vmul.f32 v49, v3;
	v60 =	vmul.f32 v43, v4;
	v42 =	vadd.f32 v42, v8  }
0x1d0: {  	v40 =	vld [tilespmem:s24+$0x88E0];
	v62 =	vmul.f32 v44, v5;
	v43 =	vmul.f32 v45, v6;
	v47 =	vadd.f32 v47, v9;
	s18 =	smul.f32 s15, s15;
	s16 =	spop (v2sf)  }
0x1d1: {  	v39 =	vld [tilespmem:s24+$0x88A0];
	v48 =	vmul.f32 v46, v7;
	v46 =	vmul.f32 v33, v0;
	v41 =	vadd.f32 v41, v10;
	[tilespmem:s20+$0x18800] =	vst v42;
	s10 =	smul.f32 $7.812500000e-03, s16  }
0x1d2: {  	v44 =	vmul.f32 v34, v2;
	v33 =	vmul.f32 v51, v4;
	v63 =	vadd.f32 v49, v11;
	v37 =	vld [tilespmem:s24+$0x8890];
	[tilespmem:s20+$0x18810] =	vst v47  }
0x1d3: {  	v34 =	vmul.f32 v52, v5;
	v49 =	vadd.f32 v60, v12;
	v47 =	vmul.f32 v32, v1;
	v42 =	vld [tilespmem:s24+$0x10890];
	[tilespmem:s20+$0x18820] =	vst v41;
	s18 =	ssub.f32 s10, s18  }
0x1d4: {  	s14 =	simm.s32 $0xC00;
	v32 =	vmul.f32 v53, v6;
	v41 =	vmul.f32 v50, v3;
	v50 =	vadd.f32 v62, v13;
	v45 =	vld [tilespmem:s24+$0x108A0];
	[tilespmem:s20+$0x18830] =	vst v63  }
.LBB2_5:
0x1d5: {  	p1 =	sne.s32 s14, $0xFC00;
	v51 =	vld [tilespmem:s24+$0x88D0];
	v52 =	vmov s18;
	[tilespmem:s20+$0x18840] =	vst v49;
	v43 =	vadd.f32 v43, v14;
	v48 =	vadd.f32 v48, v15  }
0x1d6: {  	v46 =	vadd.f32 v46, v8;
	v49 =	vld [tilespmem:s24+$0x88B0];
	v52 =	vadd.f32 $9.999999960e-13, v52;
	[tilespmem:s20+$0x18850] =	vst v50  }
0x1d7: {  	v44 =	vadd.f32 v44, v10;
	v50 =	vld [tilespmem:s24+$0x108B0];
	[tilespmem:s20+$0x18860] =	vst v43;
	v43 =	vadd.f32 v47, v9  }
0x1d8: {  	v36 =	vadd.f32 v36, v35;
	v37 =	vadd.f32 v42, v37;
	v42 =	vld [tilespmem:s24+$0x88C0];
	v47 =	vbroadcast v52, $0x0;
	[tilespmem:s20+$0x18870] =	vst v48  }
0x1d9: {  	v41 =	vadd.f32 v41, v11;
	v35 =	vadd.f32 v45, v39;
	v45 =	vld [tilespmem:s24+$0x108C0];
	[tilespmem:s20+$0x18880] =	vst v46  }
0x1da: {  	v39 =	vadd.f32 v37, v36;
	v46 =	vld [tilespmem:s24+$0x108D0];
	v48 =	vshra.s32 v47, $0x1;
	v47 =	vmul.f32 $5.000000000e-01, v47;
	s10 =	spop (v2sf);
	[tilespmem:s20+$0x18890] =	vst v43  }
0x1db: {  	v43 =	vmul.f32 v36, v36;
	v53 =	vmul.f32 v37, v37;
	v52 =	vld [tilespmem:s24+$0x8800];
	s10 =	smul.f32 $7.812500000e-03, s10;
	v48 =	vsub.s32 $0x5F3759DF, v48;
	[tilespmem:s20+$0x188A0] =	vst v44  }
0x1dc: {  	v44 =	vld [tilespmem:s24+$0x10800];
	v54 =	vadd.f32 v35, v39;
	v39 =	vadd.f32 v50, v49;
	v47 =	vmul.f32 v48, v47;
	[tilespmem:s20+$0x188B0] =	vst v41  }
0x1dd: {  	v43 =	vadd.f32 v53, v43;
	v50 =	vmul.f32 v35, v35;
	v41 =	vadd.f32 v38, v40;
	v49 =	vld [tilespmem:s24+$0x8810];
	s16 =	smul.f32 s10, s10;
	s18 =	spop (v2sf)  }
0x1de: {  	v38 =	vadd.f32 v39, v54;
	v40 =	vadd.f32 v45, v42;
	v45 =	vld [tilespmem:s24+$0x88F0];
	s18 =	smul.f32 $7.812500000e-03, s18;
	v47 =	vmul.f32 v48, v47  }
0x1df: {  	v43 =	vadd.f32 v50, v43;
	v50 =	vmul.f32 v39, v39;
	v42 =	vadd.f32 v46, v51;
	v46 =	vld [tilespmem:s24+$0x108F0]  }
0x1e0: {  	v53 =	vmov s10;
	v51 =	vld [tilespmem:s24+$0x10810];
	v38 =	vadd.f32 v40, v38;
	s10 =	ssub.f32 s18, s16;
	v47 =	vsub.f32 $1.500000000e+00, v47  }
0x1e1: {  	v50 =	vadd.f32 v50, v43;
	v55 =	vmul.f32 v40, v40;
	v43 =	vmov s15;
	v54 =	vld [tilespmem:s24+$0x8820]  }
0x1e2: {  	v56 =	vld [tilespmem:s24+$0x10820];
	v57 =	vadd.f32 v42, v38;
	v38 =	vmul.f32 v48, v47;
	v47 =	vsub.f32 v31, v43  }
0x1e3: {  	v44 =	vadd.f32 v44, v52;
	v52 =	vmul.f32 v42, v42;
	v50 =	vadd.f32 v55, v50;
	v48 =	vld [tilespmem:s24+$0x8830]  }
0x1e4: {  	v55 =	vld [tilespmem:s24+$0x10830];
	v57 =	vadd.f32 v41, v57;
	v31 =	vadd.f32 v46, v45;
	v45 =	vmul.f32 v38, v47  }
0x1e5: {  	v46 =	vadd.f32 v51, v49;
	v47 =	vld [tilespmem:s24+$0x8840];
	v49 =	vadd.f32 v52, v50;
	v50 =	vmul.f32 v41, v41  }
0x1e6: {  	v51 =	vmul.f32 v44, v44;
	v52 =	vld [tilespmem:s24+$0x10840];
	v57 =	vadd.f32 v31, v57;
	v45 =	vmul.f32 v45, v7  }
0x1e7: {  	v58 =	vadd.f32 v46, v44;
	v59 =	vld [tilespmem:s24+$0x8850];
	v49 =	vadd.f32 v50, v49;
	v50 =	vmul.f32 v31, v31  }
0x1e8: {  	v60 =	vmul.f32 v46, v46;
	v54 =	vadd.f32 v56, v54;
	v56 =	vld [tilespmem:s24+$0x10850];
	(xrf2) =	vadd.scan.msk.f32 $0xffff, v57;
	v45 =	vadd.f32 v45, v15  }
0x1e9: {  	v48 =	vadd.f32 v55, v48;
	v55 =	vld [tilespmem:s24+$0x8860];
	v49 =	vadd.f32 v50, v49;
	v50 =	vmov s10  }
0x1ea: {  	v51 =	vadd.f32 v60, v51;
	v57 =	vadd.f32 v54, v58;
	v58 =	vmul.f32 v54, v54;
	v60 =	vld [tilespmem:s24+$0x10860];
	[tilespmem:s23+$0x188F0] =	vst v45  }
0x1eb: {  	v45 =	vmul.f32 v48, v48;
	v47 =	vadd.f32 v52, v47;
	v52 =	vld [tilespmem:s24+$0x8870];
	(xrf2) =	vadd.scan.msk.f32 $0xffff, v49;
	v49 =	vadd.f32 $9.999999960e-13, v50  }
0x1ec: {  	v50 =	vadd.f32 v58, v51;
	v51 =	vadd.f32 v48, v57;
	v57 =	vld [tilespmem:s24+$0x10870]  }
0x1ed: {  	v58 =	vmul.f32 v47, v47;
	v56 =	vadd.f32 v56, v59;
	v49 =	vbroadcast v49, $0x0  }
0x1ee: {  	v45 =	vadd.f32 v45, v50;
	v50 =	vadd.f32 v47, v51  }
0x1ef: {  	v61 =	vmul.f32 v56, v56;
	v55 =	vadd.f32 v60, v55;
	v59 =	vshra.s32 v49, $0x1  }
0x1f0: {  	v45 =	vadd.f32 v58, v45;
	v50 =	vadd.f32 v56, v50;
	v49 =	vmul.f32 $5.000000000e-01, v49  }
0x1f1: {  	v58 =	vmul.f32 v55, v55;
	v52 =	vadd.f32 v57, v52;
	v57 =	vsub.s32 $0x5F3759DF, v59  }
0x1f2: {  	v45 =	vadd.f32 v61, v45;
	v50 =	vadd.f32 v55, v50;
	v51, _, _ =	vpop (xrf2);
	v49 =	vmul.f32 v57, v49  }
0x1f3: {  	v60 =	vsub.f32 v23, v53;
	v23 =	vmovc v44;
	v61 =	vsub.f32 v24, v53;
	v59 =	vmul.f32 v52, v52  }
0x1f4: {  	v24 =	vmovc v46;
	v44 =	vadd.f32 v58, v45;
	v45 =	vadd.f32 v52, v50;
	v49 =	vmul.f32 v57, v49  }
0x1f5: {  	v50 =	vsub.f32 v25, v53;
	v25 =	vmov v54;
	(v2sf) =	vpush v51, $0xF;
	v46, _, _ =	vpop (xrf2)  }
0x1f6: {  	v44 =	vadd.f32 v59, v44;
	(xrf2) =	vadd.scan.msk.f32 $0xffff, v45;
	(v2sf) =	vpush v46, $0xF  }
0x1f7: {  	v45 =	vsub.f32 $1.500000000e+00, v49;
	v46 =	vsub.f32 v26, v53;
	v26 =	vmov v48  }
0x1f8: {  	v48 =	vsub.f32 v27, v53;
	v49 =	vsub.f32 v28, v53;
	v27 =	vmovc v47;
	v28 =	vmov v56  }
0x1f9: {  	v30 =	vsub.f32 v30, v53;
	(xrf2) =	vadd.scan.msk.f32 $0xffff, v44;
	v44 =	vmul.f32 v57, v45;
	v45 =	vsub.f32 v29, v53  }
0x1fa: {  	v51 =	vsub.f32 v17, v43;
	v17 =	vmovc v37;
	v47 =	vsub.f32 v16, v43;
	v16 =	vmovc v36;
	v29 =	vmov v55  }
0x1fb: {  	v37 =	vsub.f32 v18, v43;
	v18 =	vmovc v35;
	v53 =	vsub.f32 v20, v43;
	v36 =	vmul.f32 v44, v60  }
0x1fc: {  	v54 =	vsub.f32 v21, v43;
	v55 =	vsub.f32 v22, v43;
	v20 =	vmovc v39;
	v35 =	vmul.f32 v44, v61  }
0x1fd: {  	v43 =	vsub.f32 v19, v43;
	v19 =	vmovc v41;
	v39 =	vmul.f32 v44, v50;
	v46 =	vmul.f32 v44, v46  }
0x1fe: {  	v33 =	vadd.f32 v33, v12;
	v21 =	vmovc v40;
	v41 =	vmul.f32 v44, v48;
	v48 =	vmul.f32 v44, v49  }
0x1ff: {  	v40 =	vadd.f32 v34, v13;
	v22 =	vmovc v42;
	v45 =	vmul.f32 v44, v45;
	v44 =	vmul.f32 v44, v30  }
0x200: {  	v42 =	vmul.f32 v38, v47;
	v47 =	vmul.f32 v38, v51;
	v49 =	vadd.f32 v32, v14;
	v34, _, _ =	vpop (xrf2);
	[tilespmem:s20+$0x188C0] =	vst v33  }
0x201: {  	v30 =	vmovc v52;
	v33 =	vmul.f32 v38, v37;
	(v2sf) =	vpush v34, $0xF;
	v34 =	vmul.f32 v38, v53;
	[tilespmem:s20+$0x188D0] =	vst v40  }
0x202: {  	v50 =	vmul.f32 v38, v54;
	v51 =	vmul.f32 v38, v55;
	[tilespmem:s20+$0x188E0] =	vst v49;
	s20 =	smov.u32 s23;
	s23 =	smov.u32 s24;
	s24 =	sshra.s32 s14, $0x2  }
0x203: {  	v52 =	vmul.f32 v38, v43;
	v36 =	vmul.f32 v36, v0;
	v40 =	vld [tilespmem:s24+$0x88E0];
	v32, _, _ =	vpop (xrf2)  }
0x204: {  	v37 =	vmul.f32 v39, v2;
	v38 =	vld [tilespmem:s24+$0x108E0];
	(v2sf) =	vpush v32, $0xF;
	s10 =	spop (v2sf);
	v32 =	vmul.f32 v35, v1  }
0x205: {  	s15 =	smul.f32 $7.812500000e-03, s10;
	s10 =	spop (v2sf)  }
0x206: {  	v41 =	vmul.f32 v41, v4;
	v53 =	vmul.f32 v46, v3;
	v49 =	vadd.f32 v36, v8;
	v39 =	vld [tilespmem:s24+$0x88A0];
	s10 =	smul.f32 $7.812500000e-03, s10  }
.Ltmp1:
0x207: {  	v54 =	vmul.f32 v48, v5;
	v43 =	vmul.f32 v45, v6;
	v35 =	vld [tilespmem:s24+$0x8880];
	v32 =	vadd.f32 v32, v9;
	(pc) =	sbr.rel @p1 .LBB2_5-.Ltmp1, $4  }
0x208: {  	v48 =	vmul.f32 v44, v7;
	v46 =	vmul.f32 v42, v0;
	v45 =	vadd.f32 v37, v10;
	v36 =	vld [tilespmem:s24+$0x10880];
	s16 =	smul.f32 s15, s15;
	[tilespmem:s20+$0x18800] =	vst v49  }
0x209: {  	v47 =	vmul.f32 v47, v1;
	v44 =	vmul.f32 v33, v2;
	v37 =	vld [tilespmem:s24+$0x8890];
	[tilespmem:s20+$0x18810] =	vst v32;
	v32 =	vadd.f32 v53, v11  }
0x20a: {  	v33 =	vmul.f32 v50, v4;
	v49 =	vadd.f32 v41, v12;
	v41 =	vmul.f32 v34, v3;
	v42 =	vld [tilespmem:s24+$0x10890];
	s18 =	ssub.f32 s10, s16;
	[tilespmem:s20+$0x18820] =	vst v45  }
0x20b: {  	s14 =	sadd.s32 $0x400, s14;
	v50 =	vadd.f32 v54, v13;
	v34 =	vmul.f32 v51, v5;
	v45 =	vld [tilespmem:s24+$0x108A0];
	[tilespmem:s20+$0x18830] =	vst v32;
	v32 =	vmul.f32 v52, v6  }
0x20c: {  	v51 =	vld [tilespmem:s24+$0x88D0];
	[tilespmem:s20+$0x18840] =	vst v49;
	v43 =	vadd.f32 v43, v14  }
0x20d: {  	v48 =	vadd.f32 v48, v15;
	v49 =	vld [tilespmem:s24+$0x88B0];
	[tilespmem:s20+$0x18850] =	vst v50  }
0x20e: {  	v58 =	vmov s18;
	v50 =	vld [tilespmem:s24+$0x108B0];
	[tilespmem:s20+$0x18860] =	vst v43  }
0x20f: {  	v46 =	vadd.f32 v46, v8;
	v43 =	vld [tilespmem:s24+$0x88C0];
	[tilespmem:s20+$0x18870] =	vst v48;
	v48 =	vadd.f32 $9.999999960e-13, v58  }
0x210: {  	v47 =	vadd.f32 v47, v9;
	v36 =	vadd.f32 v36, v35  }
0x211: {  	v44 =	vadd.f32 v44, v10;
	v52 =	vld [tilespmem:s24+$0x108C0];
	[tilespmem:s20+$0x18880] =	vst v46;
	v59 =	vbroadcast v48, $0x0  }
0x212: {  	v41 =	vadd.f32 v41, v11;
	v35 =	vadd.f32 v42, v37;
	v62 =	vmul.f32 v36, v36;
	v46 =	vld [tilespmem:s24+$0x108D0];
	[tilespmem:s20+$0x18890] =	vst v47  }
0x213: {  	v37 =	vadd.f32 v45, v39;
	v45 =	vld [tilespmem:s24+$0x8800];
	[tilespmem:s20+$0x188A0] =	vst v44;
	v61 =	vshra.s32 v59, $0x1;
	v42 =	vmul.f32 $5.000000000e-01, v59  }
0x214: {  	v60 =	vadd.f32 v35, v36;
	v63 =	vmul.f32 v35, v35;
	v53 =	vld [tilespmem:s24+$0x10800];
	[tilespmem:s20+$0x188B0] =	vst v41;
	v47 =	vsub.s32 $0x5F3759DF, v61  }
0x215: {  	v39 =	vadd.f32 v50, v49;
	v49 =	vld [tilespmem:s24+$0x8810];
	v42 =	vmul.f32 v47, v42  }
0x216: {  	v58 =	vmul.f32 v37, v37;
	v54 =	vadd.f32 v37, v60;
	v57 =	vadd.f32 v63, v62;
	v60 =	vld [tilespmem:s24+$0x10810]  }
0x217: {  	v38 =	vadd.f32 v38, v40;
	v40 =	vadd.f32 v52, v43;
	v43 =	vld [tilespmem:s24+$0x88F0];
	v42 =	vmul.f32 v47, v42  }
0x218: {  	v59 =	vadd.f32 v39, v54;
	v44 =	vadd.f32 v58, v57;
	v50 =	vmul.f32 v39, v39;
	v52 =	vld [tilespmem:s24+$0x108F0]  }
0x219: {  	v54 =	vmov s15;
	v41 =	vadd.f32 v46, v51;
	v42 =	vsub.f32 $1.500000000e+00, v42  }
0x21a: {  	v55 =	vld [tilespmem:s24+$0x10820];
	v48 =	vadd.f32 v40, v59;
	v44 =	vadd.f32 v50, v44;
	v61 =	vmul.f32 v40, v40  }
0x21b: {  	v51 =	vld [tilespmem:s24+$0x8820];
	v62 =	vsub.f32 v31, v54;
	v31 =	vadd.f32 v53, v45;
	v42 =	vmul.f32 v47, v42  }
0x21c: {  	v56 =	vld [tilespmem:s24+$0x10830];
	v63 =	vmul.f32 v41, v41;
	v48 =	vadd.f32 v41, v48;
	v44 =	vadd.f32 v61, v44  }
0x21d: {  	v45 =	vld [tilespmem:s24+$0x8830];
	v50 =	vadd.f32 v52, v43;
	v43 =	vadd.f32 v60, v49;
	v47 =	vmul.f32 v42, v62  }
0x21e: {  	v46 =	vld [tilespmem:s24+$0x8840];
	v60 =	vmul.f32 v38, v38;
	v44 =	vadd.f32 v63, v44  }
0x21f: {  	v52 =	vld [tilespmem:s24+$0x10840];
	v48 =	vadd.f32 v38, v48;
	v53 =	vadd.f32 v43, v31;
	v47 =	vmul.f32 v47, v7  }
0x220: {  	v57 =	vld [tilespmem:s24+$0x8850];
	v58 =	vmul.f32 v31, v31;
	v49 =	vadd.f32 v60, v44;
	v44 =	vadd.f32 v55, v51  }
0x221: {  	v59 =	vmul.f32 v43, v43;
	v48 =	vadd.f32 v50, v48;
	v51 =	vld [tilespmem:s24+$0x10850];
	v47 =	vadd.f32 v47, v15  }
0x222: {  	v60 =	vld [tilespmem:s24+$0x8860];
	v45 =	vadd.f32 v56, v45;
	v53 =	vadd.f32 v44, v53  }
0x223: {  	v55 =	vmul.f32 v50, v50;
	v56 =	vld [tilespmem:s24+$0x10860];
	v61 =	vadd.f32 v59, v58;
	v62 =	vmul.f32 v44, v44;
	[tilespmem:s23+$0x188F0] =	vst v47  }
0x224: {  	v46 =	vadd.f32 v52, v46;
	v53 =	vadd.f32 v45, v53;
	v52 =	vld [tilespmem:s24+$0x8870]  }
0x225: {  	v49 =	vadd.f32 v55, v49;
	v63 =	vmul.f32 v45, v45;
	v55 =	vadd.f32 v62, v61;
	v58 =	vld [tilespmem:s24+$0x10870]  }
0x226: {  	v47 =	vadd.f32 v51, v57;
	v59 =	vadd.f32 v46, v53  }
0x227: {  	(xrf2) =	vadd.scan.msk.f32 $0xffff, v48;
	v61 =	vmul.f32 v46, v46;
	v62 =	vadd.f32 v63, v55  }
0x228: {  	(xrf2) =	vadd.scan.msk.f32 $0xffff, v49;
	v48 =	vadd.f32 v56, v60;
	v63 =	vadd.f32 v47, v59  }
0x229: {  	v60 =	vmul.f32 v47, v47;
	v51 =	vadd.f32 v61, v62  }
0x22a: {  	v61 =	vadd.f32 v48, v63;
	v49 =	vadd.f32 v58, v52  }
0x22b: {  	v62 =	vmul.f32 v48, v48;
	v51 =	vadd.f32 v60, v51  }
0x22c: {  	v52 =	vadd.f32 v49, v61  }
0x22d: {  	v51 =	vadd.f32 v62, v51;
	v63 =	vmul.f32 v49, v49  }
0x22e: {  	(xrf2) =	vadd.scan.msk.f32 $0xffff, v52  }
0x22f: {  	v51 =	vadd.f32 v63, v51  }
0x230: {  	s10 =	spop (v2sf)  }
0x231: {  	s10 =	smul.f32 $7.812500000e-03, s10;
	v57, _, _ =	vpop (xrf2);
	(xrf2) =	vadd.scan.msk.f32 $0xffff, v51  }
0x232: {  	(v2sf) =	vpush v57, $0xF;
	v58, _, _ =	vpop (xrf2)  }
0x233: {  	s14 =	smul.f32 s10, s10;
	s18 =	spop (v2sf);
	(v2sf) =	vpush v58, $0xF  }
0x234: {  	s15 =	smul.f32 $7.812500000e-03, s18;
	v16 =	vsub.f32 v16, v54  }
0x235: {  	v17 =	vsub.f32 v17, v54;
	v18 =	vsub.f32 v18, v54  }
0x236: {  	v20 =	vsub.f32 v20, v54;
	v21 =	vsub.f32 v21, v54;
	s14 =	ssub.f32 s15, s14  }
0x237: {  	v22 =	vsub.f32 v22, v54;
	v19 =	vsub.f32 v19, v54;
	v16 =	vmul.f32 v42, v16  }
0x238: {  	v17 =	vmul.f32 v42, v17;
	v18 =	vmul.f32 v42, v18;
	v59 =	vmov s14;
	v61, _, _ =	vpop (xrf2)  }
0x239: {  	v20 =	vmul.f32 v42, v20;
	v51 =	vadd.f32 $9.999999960e-13, v59;
	(v2sf) =	vpush v61, $0xF  }
0x23a: {  	v33 =	vadd.f32 v33, v12;
	v21 =	vmul.f32 v42, v21;
	v22 =	vmul.f32 v42, v22  }
0x23b: {  	v34 =	vadd.f32 v34, v13;
	v19 =	vmul.f32 v42, v19;
	v51 =	vbroadcast v51, $0x0;
	v62, _, _ =	vpop (xrf2)  }
0x23c: {  	v16 =	vmul.f32 v16, v0;
	v17 =	vmul.f32 v17, v1;
	(v2sf) =	vpush v62, $0xF  }
0x23d: {  	v18 =	vmul.f32 v18, v2;
	v60 =	vshra.s32 v51, $0x1;
	v51 =	vmul.f32 $5.000000000e-01, v51  }
0x23e: {  	v20 =	vmul.f32 v20, v3;
	v21 =	vmul.f32 v21, v4;
	v52 =	vsub.s32 $0x5F3759DF, v60  }
0x23f: {  	v32 =	vadd.f32 v32, v14;
	v22 =	vmul.f32 v22, v5;
	v51 =	vmul.f32 v52, v51  }
0x240: {  	v19 =	vmul.f32 v19, v6;
	v16 =	vadd.f32 v16, v8;
	v17 =	vadd.f32 v17, v9  }
0x241: {  	v18 =	vadd.f32 v18, v10;
	v20 =	vadd.f32 v20, v11;
	v51 =	vmul.f32 v52, v51;
	s15 =	spop (v2sf)  }
0x242: {  	v21 =	vadd.f32 v21, v12;
	v22 =	vadd.f32 v22, v13;
	s14 =	smul.f32 $7.812500000e-03, s15;
	s16 =	spop (v2sf)  }
0x243: {  	v19 =	vadd.f32 v19, v14;
	v63 =	vmov s10;
	v51 =	vsub.f32 $1.500000000e+00, v51;
	s10 =	smul.f32 $7.812500000e-03, s16  }
0x244: {  	v23 =	vsub.f32 v23, v63;
	v24 =	vsub.f32 v24, v63;
	s18 =	smul.f32 s14, s14  }
0x245: {  	v25 =	vsub.f32 v25, v63;
	v26 =	vsub.f32 v26, v63;
	v51 =	vmul.f32 v52, v51  }
0x246: {  	v27 =	vsub.f32 v27, v63;
	v28 =	vsub.f32 v28, v63;
	s10 =	ssub.f32 s10, s18  }
0x247: {  	v29 =	vsub.f32 v29, v63;
	v30 =	vsub.f32 v30, v63;
	v23 =	vmul.f32 v51, v23  }
0x248: {  	v24 =	vmul.f32 v51, v24;
	v25 =	vmul.f32 v51, v25;
	v56 =	vmov s10;
	s16 =	spop (v2sf)  }
0x249: {  	[tilespmem:s20+$0x188C0] =	vst v33;
	v26 =	vmul.f32 v51, v26;
	v27 =	vmul.f32 v51, v27;
	v57 =	vadd.f32 $9.999999960e-13, v56;
	s10 =	smul.f32 $7.812500000e-03, s16  }
0x24a: {  	[tilespmem:s20+$0x188D0] =	vst v34;
	v54 =	vmov s14;
	v28 =	vmul.f32 v51, v28;
	v29 =	vmul.f32 v51, v29  }
0x24b: {  	[tilespmem:s20+$0x188E0] =	vst v32;
	v30 =	vmul.f32 v51, v30;
	v50 =	vsub.f32 v50, v54;
	v51 =	vbroadcast v57, $0x0;
	s16 =	spop (v2sf);
	s18 =	smul.f32 s10, s10  }
0x24c: {  	[tilespmem:s23+$0x18890] =	vst v17;
	v17 =	vsub.f32 v35, v54;
	v23 =	vmul.f32 v23, v0;
	v24 =	vmul.f32 v24, v1;
	s16 =	smul.f32 $7.812500000e-03, s16  }
0x24d: {  	v25 =	vmul.f32 v25, v2;
	v58 =	vshra.s32 v51, $0x1;
	v51 =	vmul.f32 $5.000000000e-01, v51  }
0x24e: {  	v26 =	vmul.f32 v26, v3;
	v27 =	vmul.f32 v27, v4;
	v52 =	vsub.s32 $0x5F3759DF, v58;
	s15 =	ssub.f32 s16, s18  }
0x24f: {  	v28 =	vmul.f32 v28, v5;
	v23 =	vadd.f32 v23, v8;
	v51 =	vmul.f32 v52, v51  }
0x250: {  	v24 =	vadd.f32 v24, v9;
	v25 =	vadd.f32 v25, v10;
	v59 =	vmov s15  }
0x251: {  	v26 =	vadd.f32 v26, v11;
	v51 =	vmul.f32 v52, v51;
	v53 =	vadd.f32 $9.999999960e-13, v59  }
0x252: {  	v29 =	vmul.f32 v29, v6;
	v27 =	vadd.f32 v27, v12;
	v28 =	vadd.f32 v28, v13  }
0x253: {  	[tilespmem:s23+$0x18880] =	vst v16;
	v56 =	vmov s10;
	v51 =	vsub.f32 $1.500000000e+00, v51;
	v60 =	vbroadcast v53, $0x0  }
0x254: {  	[tilespmem:s23+$0x188A0] =	vst v18;
	v30 =	vmul.f32 v30, v7;
	v29 =	vadd.f32 v29, v14;
	v58 =	vsub.f32 v31, v56  }
0x255: {  	[tilespmem:s23+$0x188B0] =	vst v20;
	v33 =	vmul.f32 v52, v51;
	v62 =	vshra.s32 v60, $0x1;
	v63 =	vmul.f32 $5.000000000e-01, v60  }
0x256: {  	[tilespmem:s23+$0x18800] =	vst v23;
	v42 =	vsub.f32 v48, v56;
	v16 =	vsub.f32 v49, v56;
	v52 =	vsub.s32 $0x5F3759DF, v62  }
0x257: {  	[tilespmem:s23+$0x18810] =	vst v24;
	v49 =	vsub.f32 v38, v54;
	v61 =	vmul.f32 v33, v50;
	v55 =	vmul.f32 v52, v63  }
0x258: {  	[tilespmem:s23+$0x18820] =	vst v25;
	v51 =	vadd.f32 v30, v15;
	v59 =	vsub.f32 v43, v56  }
0x259: {  	[tilespmem:s23+$0x18830] =	vst v26;
	v53 =	vmul.f32 v61, v7;
	v61 =	vsub.f32 v45, v56;
	v57 =	vmul.f32 v52, v55  }
0x25a: {  	[tilespmem:s23+$0x18840] =	vst v27;
	v17 =	vmul.f32 v33, v17;
	v45 =	vsub.f32 v39, v54;
	v63 =	vsub.f32 v47, v56  }
0x25b: {  	[tilespmem:s23+$0x18850] =	vst v28;
	v47 =	vsub.f32 v41, v54;
	v26 =	vsub.f32 $1.500000000e+00, v57  }
0x25c: {  	[tilespmem:s23+$0x18860] =	vst v29;
	v17 =	vmul.f32 v17, v1;
	v24 =	vadd.f32 v53, v15;
	v18 =	vmul.f32 v33, v45  }
0x25d: {  	[tilespmem:s23+$0x18870] =	vst v51;
	v43 =	vsub.f32 v36, v54;
	v20 =	vmul.f32 v33, v47;
	v26 =	vmul.f32 v52, v26  }
0x25e: {  	v60 =	vsub.f32 v44, v56;
	v44 =	vsub.f32 v37, v54;
	[tilespmem:s24+$0x188F0] =	vst v24;
	v18 =	vmul.f32 v18, v3  }
0x25f: {  	v17 =	vadd.f32 v17, v9;
	[tilespmem:s23+$0x188C0] =	vst v21;
	v20 =	vmul.f32 v20, v5;
	v27 =	vmul.f32 v26, v58  }
0x260: {  	v62 =	vsub.f32 v46, v56;
	[tilespmem:s23+$0x188D0] =	vst v22;
	v31 =	vmul.f32 v26, v59;
	v28 =	vmul.f32 v26, v60  }
0x261: {  	[tilespmem:s23+$0x188E0] =	vst v19;
	v18 =	vadd.f32 v18, v11;
	v48 =	vmul.f32 v26, v61;
	v27 =	vmul.f32 v27, v0  }
0x262: {  	[tilespmem:s24+$0x18890] =	vst v17;
	v23 =	vmul.f32 v26, v63;
	v63 =	vadd.f32 v20, v13;
	v50 =	vmul.f32 v31, v1  }
0x263: {  	[tilespmem:s24+$0x188B0] =	vst v18;
	v51 =	vmul.f32 v26, v62;
	v52 =	vmul.f32 v28, v2;
	v27 =	vadd.f32 v27, v8  }
0x264: {  	v16 =	vmul.f32 v26, v16;
	v53 =	vmul.f32 v48, v3;
	[tilespmem:s24+$0x188D0] =	vst v63;
	v21 =	vadd.f32 v50, v9  }
0x265: {  	v46 =	vsub.f32 v40, v54;
	v55 =	vmul.f32 v51, v4;
	v22 =	vadd.f32 v52, v10;
	[tilespmem:s24+$0x18800] =	vst v27  }
0x266: {  	v54 =	vmul.f32 v26, v42;
	v16 =	vmul.f32 v16, v7;
	v19 =	vadd.f32 v53, v11;
	[tilespmem:s24+$0x18810] =	vst v21  }
0x267: {  	v59 =	vmul.f32 v33, v44;
	v23 =	vmul.f32 v23, v5;
	v57 =	vadd.f32 v55, v12;
	[tilespmem:s24+$0x18820] =	vst v22  }
0x268: {  	v56 =	vmul.f32 v33, v43;
	v24 =	vmul.f32 v54, v6;
	v16 =	vadd.f32 v16, v15;
	[tilespmem:s24+$0x18830] =	vst v19  }
0x269: {  	v61 =	vmul.f32 v33, v46;
	v58 =	vadd.f32 v23, v13;
	v23 =	vmul.f32 v59, v2;
	[tilespmem:s24+$0x18840] =	vst v57  }
0x26a: {  	v60 =	vadd.f32 v24, v14;
	v21 =	vmul.f32 v56, v0;
	[tilespmem:s24+$0x18870] =	vst v16;
	v16 =	vmul.f32 v33, v49  }
0x26b: {  	s13 =	sadd.s32 $0x1, s13;
	[tilespmem:s24+$0x18850] =	vst v58;
	v19 =	vmul.f32 v61, v4;
	v62 =	vadd.f32 v23, v10  }
0x26c: {  	p1 =	sne.s32 s13, $0x19;
	[tilespmem:s24+$0x18860] =	vst v60;
	v21 =	vadd.f32 v21, v8;
	v16 =	vmul.f32 v16, v6  }
.Ltmp2:
0x26d: {  	[tilespmem:s24+$0x188A0] =	vst v62;
	v17 =	vadd.f32 v19, v12;
	(pc) =	sbr.rel @p1 .LBB2_2-.Ltmp2, $4  }
0x26e: {  	[tilespmem:s24+$0x18880] =	vst v21;
	v16 =	vadd.f32 v16, v14  }
0x26f: {  	s23 =	sshll.u32 s17, $0x10;
	[tilespmem:s24+$0x188C0] =	vst v17  }
0x270: {  	s10 =	sadd.s32 s23, s9;
	[tilespmem:s24+$0x188E0] =	vst v16  }
0x271: {  	[hbm4b:s10+s6] =	stream.linear.scatter [tilespmem:s2], [sflag:$0x6], $0x4000, $0x38;
	[tilespmem:$0x1C900] =	vst v63  }
0x272: {  	_ =	swait.ge [sflag:s3], $0x4000  }
0x273: {  	[sflag:s3] =	ssyncset.done $0x0  }
0x274: {  	[sflag:s3] =	ssyncadd.s32 $0xFFFFC000  }
0x275: {  	_ =	swait.ge [sflag:s4], $0x4000  }
0x276: {  	s11 =	sadd.s32 $0x1, s11;
	s10 =	rddreg [dreg:$0x9]  }
0x277: {  	p1 =	sne.s32 s11, s10  }
.Ltmp3:
0x278: {  	_ = 	snop;
	(pc) =	sbr.rel @p1 .LBB2_1-.Ltmp3, $3  }
0x279: {  	_ =	sdelay $0x1  }
0x27a: {  	[sflag:s4] =	ssyncset.done $0x0  }
0x27b: {  	[sflag:s4] =	ssyncadd.s32 $0xFFFFC000  }
0x27c: {  	_ =	sfence.sel $0x180000  }
0x27d: {  	[bflag:$0x0] =	sbarrier.arrive $0xFFFF  }
0x27e: {  	_ =	strace $0x90000047  }
0x27f: {  	[bflag:$0x2] =	sbarrier.arrive $0xFFFF  }
0x280: {  	s0 =	rddreg [dreg:$0x8]  }
0x281: {  	s0 =	sadd.s32 @!p0 $0x100000, s0  }
0x282: {  	[sflag:s0] =	ssyncadd.tile.s32 @!p0 $0x1;
	_ =	shalt  }
.Lfunc_end2:
_tile_overlayer_lowered:
.L_overlay_start_2:
0x283: {  	(tag) =	ssettag $0x2  }
0x284: {  	s0 =	rddreg [dreg:$0x0];
	s2 =	stileid.u32  }
0x285: {  	s1 =	rddreg [dreg:$0x1];
	p0 =	sne.s32 s2, $0x0  }
0x286: {  	s3 =	rddreg [dreg:$0x2];
	[bflag:$0x3] =	sbarrier.arrive $0xFFFF;
	s2 =	simm.s32 @!p0 $0x1C07  }
0x287: {  	[timem:s3], [sflag:s2] =	dma.local @!p0 [hbm:s0], s1  }
0x288: {  	s0 =	simm.s32 @!p0 $0x7  }
0x289: {  	_ =	swait.ge @!p0 [sflag:s0], s1  }
0x28a: {  	s1 =	ssub.s32 @!p0 $0x0, s1;
	[sflag:s0] =	ssyncset.done @!p0 $0x0  }
0x28b: {  	[sflag:s0] =	ssyncadd.s32 @!p0 s1  }
0x28c: {  	[bflag:$0x3] =	sbarrier.arrive $0xFFFF  }
0x28d: {  	_ =	shalt  }

</sc_bundles>
